<compile_context>
chip_gen: v7x
topology: tpu7x:2x2x1
jax: 0.10.2.dev20260603
libtpu: 0.0.44.dev20260713+nightly
codegen_flags: <defaults>
</compile_context>

<pallas_src>
import functools

import jax
import jax.numpy as jnp
from jax import lax
from jax.experimental import pallas as pl
from jax.experimental.pallas import tpu as pltpu
from jax.experimental.pallas import tpu_sc as plsc

_B, _K, _D = 128, 32, 2048
_NC, _NS = 1, 16
_NW = _NC * _NS
_BPW = _B // _NW
_L = 16


@functools.lru_cache(maxsize=None)
def _build(len_dtype_name):
    len_dtype = jnp.dtype(len_dtype_name)
    mesh = plsc.VectorSubcoreMesh(
        core_axis_name="c", subcore_axis_name="s", num_cores=1)

    @functools.partial(
        pl.kernel,
        mesh=mesh,
        out_type=(
            jax.ShapeDtypeStruct((_B, _D), jnp.float32),
            jax.ShapeDtypeStruct((_B,), len_dtype),
        ),
        scratch_types=[
            pltpu.VMEM((_BPW, _D), jnp.float32),
            pltpu.VMEM((_B,), jnp.int32),
            pltpu.VMEM((_B,), len_dtype),
            pltpu.SemaphoreType.DMA,
            pltpu.SemaphoreType.DMA,
            pltpu.SemaphoreType.DMA,
        ],
    )
    def top1(cand_hbm, lens_flat_hbm, out_hbm, olen_hbm,
             rows_v, idx_v, lens_v, sem, lsem, wsem):
        wid = lax.axis_index("s") * _NC + lax.axis_index("c")
        base = wid * _BPW
        row_cps = [
            pltpu.async_copy(
                cand_hbm.at[base + i, 0], rows_v.at[i], sem)
            for i in range(_BPW)
        ]

        @pl.when(wid == 0)
        def _lengths():
            for i in range(_B // _L):
                idx_v[pl.ds(i * _L, _L)] = (
                    lax.iota(jnp.int32, _L) + (i * _L)) * _K
            pltpu.async_copy(lens_flat_hbm.at[idx_v], lens_v, lsem).wait()
            pltpu.sync_copy(lens_v, olen_hbm)

        w_cps = []
        for i, c in enumerate(row_cps):
            c.wait()
            w_cps.append(
                pltpu.async_copy(rows_v.at[i], out_hbm.at[base + i], wsem))
        for w in w_cps:
            w.wait()

    return top1


def kernel(candidates, lengths, batch, tgt_field, scores):
    lens_flat = lengths.reshape(_B * _K)
    out, olens = _build(str(lens_flat.dtype))(candidates, lens_flat)
    return (out, olens, scores)

# --- scband reference (transcript-rebuilt; emitter-appended) ---
"""Pipeline reference for scband-topk-reducer-19430432047664 (READ-ONLY COPY).

The authoritative reference and input builder live on the scoring server;
editing this copy changes nothing except your own understanding.
"""

import jax, jax.numpy as jnp
import numpy as np


def setup_inputs(seed: int = 0) -> dict:
    key = jax.random.key(seed)
    k1, k2, k3 = jax.random.split(key, 3)
    candidates = jax.random.normal(k1, (128, 32, 2048), dtype=jnp.float32)
    lengths = jax.random.randint(k2, (128, 32), 0, 2048, dtype=jnp.int64)
    scores = jax.random.normal(k3, (128, 32), dtype=jnp.float32)
    batch = 0  # unused placeholder arg (the torch module ignores it in the default path)
    tgt_field = 0  # unused placeholder arg
    return {
        "candidates": candidates,
        "lengths": lengths,
        "batch": batch,
        "tgt_field": tgt_field,
        "scores": scores,
    }


def reference(candidates, lengths, batch, tgt_field, scores):
    # Faithful translation of TopkReducer.forward with defaults
    # presorted=True, top1=True: take the top-1 (first) candidate per example.
    output = candidates[:, 0, :]
    output_lens = lengths[:, 0]
    return (output, output_lens, scores)

if __name__ == "__main__":
    import jax
    _d = setup_inputs()
    print(jax.jit(kernel)(*tuple(_d.values())))

</pallas_src>

<mosaic_0001>
#map = affine_map<(d0, d1) -> (0, 0, 0)>
#map1 = affine_map<(d0, d1) -> (0)>
#map2 = affine_map<(d0, d1) -> (0, 0)>
module attributes {stable_mosaic.version = 14 : i64} {
  func.func @top1(%arg0: i32, %arg1: i32, %arg2: memref<128x32x2048xf32, #tpu.memory_space<hbm>>, %arg3: memref<4096xi32, #tpu.memory_space<hbm>>, %arg4: memref<128x2048xf32, #tpu.memory_space<hbm>>, %arg5: memref<128xi32, #tpu.memory_space<hbm>>, %arg6: memref<8x2048xf32, #tpu.memory_space<vmem>>, %arg7: memref<128xi32, #tpu.memory_space<vmem>>, %arg8: memref<128xi32, #tpu.memory_space<vmem>>, %arg9: memref<!tpu.dma_semaphore, #tpu.memory_space<semaphore_mem>>, %arg10: memref<!tpu.dma_semaphore, #tpu.memory_space<semaphore_mem>>, %arg11: memref<!tpu.dma_semaphore, #tpu.memory_space<semaphore_mem>>) attributes {dimension_semantics = [#tpu.dimension_semantics<core_parallel>, #tpu.dimension_semantics<subcore_parallel>], iteration_bounds = array<i64: 1, 16>, scalar_prefetch = 0 : i64, scratch_operands = 6 : i64, tpu.core_type = #tpu.core_type<sc_vector_subcore>, window_params = [{transform_indices = #map}, {transform_indices = #map1}, {transform_indices = #map2}, {transform_indices = #map1}]} {
    %mul3A = arith.constant 1 : i32
    %mul3A_0 = arith.muli %arg1, %mul3A : i32
    %add3A = arith.addi %mul3A_0, %arg0 : i32
    %mul3A_1 = arith.constant 8 : i32
    %mul3A_2 = arith.muli %add3A, %mul3A_1 : i32
    %add3A_3 = arith.constant 0 : i32
    %add3A_4 = arith.addi %mul3A_2, %add3A_3 : i32
    %dma_start3A = arith.constant 0 : i32
    %dma_start3A_5 = arith.constant 0 : i32
    %dma_start3A_6 = arith.constant 0 : i32
    %dma_start3A_7 = tpu.memref_slice %arg6[%dma_start3A_5, %dma_start3A_6] : memref<8x2048xf32, #tpu.memory_space<vmem>> -> memref<1x2048xf32, #tpu.memory_space<vmem>>
    %dma_start3A_8 = tpu.memref_squeeze %dma_start3A_7 : memref<1x2048xf32, #tpu.memory_space<vmem>> -> memref<2048xf32, #tpu.memory_space<vmem>>
    %dma_start3A_9 = arith.constant 0 : i32
    %dma_start3A_10 = tpu.memref_slice %arg2[%add3A_4, %dma_start3A, %dma_start3A_9] : memref<128x32x2048xf32, #tpu.memory_space<hbm>> -> memref<1x1x2048xf32, #tpu.memory_space<hbm>>
    %dma_start3A_11 = tpu.memref_squeeze %dma_start3A_10 : memref<1x1x2048xf32, #tpu.memory_space<hbm>> -> memref<2048xf32, #tpu.memory_space<hbm>>
    %dma_start3A_12 = arith.constant 0 : i32
    %dma_start3A_13 = tpu.memref_slice %arg6[%dma_start3A_5, %dma_start3A_12] : memref<8x2048xf32, #tpu.memory_space<vmem>> -> memref<1x2048xf32, #tpu.memory_space<vmem>>
    %dma_start3A_14 = tpu.memref_squeeze %dma_start3A_13 : memref<1x2048xf32, #tpu.memory_space<vmem>> -> memref<2048xf32, #tpu.memory_space<vmem>>
    %dma_start3A_15 = arith.constant 0 : i32
    %dma_start3A_16 = tpu.memref_slice %arg2[%add3A_4, %dma_start3A, %dma_start3A_15] : memref<128x32x2048xf32, #tpu.memory_space<hbm>> -> memref<1x1x2048xf32, #tpu.memory_space<hbm>>
    %dma_start3A_17 = tpu.memref_squeeze %dma_start3A_16 : memref<1x1x2048xf32, #tpu.memory_space<hbm>> -> memref<2048xf32, #tpu.memory_space<hbm>>
    tpu.enqueue_dma source(%dma_start3A_17 : memref<2048xf32, #tpu.memory_space<hbm>>) target(%dma_start3A_14 : memref<2048xf32, #tpu.memory_space<vmem>>) target_semaphore(%arg9 : memref<!tpu.dma_semaphore, #tpu.memory_space<semaphore_mem>>)
    %add3A_18 = arith.constant 1 : i32
    %add3A_19 = arith.addi %mul3A_2, %add3A_18 : i32
    %dma_start3A_20 = arith.constant 0 : i32
    %dma_start3A_21 = arith.constant 1 : i32
    %dma_start3A_22 = arith.constant 0 : i32
    %dma_start3A_23 = tpu.memref_slice %arg6[%dma_start3A_21, %dma_start3A_22] : memref<8x2048xf32, #tpu.memory_space<vmem>> -> memref<1x2048xf32, #tpu.memory_space<vmem>>
    %dma_start3A_24 = tpu.memref_squeeze %dma_start3A_23 : memref<1x2048xf32, #tpu.memory_space<vmem>> -> memref<2048xf32, #tpu.memory_space<vmem>>
    %dma_start3A_25 = arith.constant 0 : i32
    %dma_start3A_26 = tpu.memref_slice %arg2[%add3A_19, %dma_start3A_20, %dma_start3A_25] : memref<128x32x2048xf32, #tpu.memory_space<hbm>> -> memref<1x1x2048xf32, #tpu.memory_space<hbm>>
    %dma_start3A_27 = tpu.memref_squeeze %dma_start3A_26 : memref<1x1x2048xf32, #tpu.memory_space<hbm>> -> memref<2048xf32, #tpu.memory_space<hbm>>
    %dma_start3A_28 = arith.constant 0 : i32
    %dma_start3A_29 = tpu.memref_slice %arg6[%dma_start3A_21, %dma_start3A_28] : memref<8x2048xf32, #tpu.memory_space<vmem>> -> memref<1x2048xf32, #tpu.memory_space<vmem>>
    %dma_start3A_30 = tpu.memref_squeeze %dma_start3A_29 : memref<1x2048xf32, #tpu.memory_space<vmem>> -> memref<2048xf32, #tpu.memory_space<vmem>>
    %dma_start3A_31 = arith.constant 0 : i32
    %dma_start3A_32 = tpu.memref_slice %arg2[%add3A_19, %dma_start3A_20, %dma_start3A_31] : memref<128x32x2048xf32, #tpu.memory_space<hbm>> -> memref<1x1x2048xf32, #tpu.memory_space<hbm>>
    %dma_start3A_33 = tpu.memref_squeeze %dma_start3A_32 : memref<1x1x2048xf32, #tpu.memory_space<hbm>> -> memref<2048xf32, #tpu.memory_space<hbm>>
    tpu.enqueue_dma source(%dma_start3A_33 : memref<2048xf32, #tpu.memory_space<hbm>>) target(%dma_start3A_30 : memref<2048xf32, #tpu.memory_space<vmem>>) target_semaphore(%arg9 : memref<!tpu.dma_semaphore, #tpu.memory_space<semaphore_mem>>)
    %add3A_34 = arith.constant 2 : i32
    %add3A_35 = arith.addi %mul3A_2, %add3A_34 : i32
    %dma_start3A_36 = arith.constant 0 : i32
    %dma_start3A_37 = arith.constant 2 : i32
    %dma_start3A_38 = arith.constant 0 : i32
    %dma_start3A_39 = tpu.memref_slice %arg6[%dma_start3A_37, %dma_start3A_38] : memref<8x2048xf32, #tpu.memory_space<vmem>> -> memref<1x2048xf32, #tpu.memory_space<vmem>>
    %dma_start3A_40 = tpu.memref_squeeze %dma_start3A_39 : memref<1x2048xf32, #tpu.memory_space<vmem>> -> memref<2048xf32, #tpu.memory_space<vmem>>
    %dma_start3A_41 = arith.constant 0 : i32
    %dma_start3A_42 = tpu.memref_slice %arg2[%add3A_35, %dma_start3A_36, %dma_start3A_41] : memref<128x32x2048xf32, #tpu.memory_space<hbm>> -> memref<1x1x2048xf32, #tpu.memory_space<hbm>>
    %dma_start3A_43 = tpu.memref_squeeze %dma_start3A_42 : memref<1x1x2048xf32, #tpu.memory_space<hbm>> -> memref<2048xf32, #tpu.memory_space<hbm>>
    %dma_start3A_44 = arith.constant 0 : i32
    %dma_start3A_45 = tpu.memref_slice %arg6[%dma_start3A_37, %dma_start3A_44] : memref<8x2048xf32, #tpu.memory_space<vmem>> -> memref<1x2048xf32, #tpu.memory_space<vmem>>
    %dma_start3A_46 = tpu.memref_squeeze %dma_start3A_45 : memref<1x2048xf32, #tpu.memory_space<vmem>> -> memref<2048xf32, #tpu.memory_space<vmem>>
    %dma_start3A_47 = arith.constant 0 : i32
    %dma_start3A_48 = tpu.memref_slice %arg2[%add3A_35, %dma_start3A_36, %dma_start3A_47] : memref<128x32x2048xf32, #tpu.memory_space<hbm>> -> memref<1x1x2048xf32, #tpu.memory_space<hbm>>
    %dma_start3A_49 = tpu.memref_squeeze %dma_start3A_48 : memref<1x1x2048xf32, #tpu.memory_space<hbm>> -> memref<2048xf32, #tpu.memory_space<hbm>>
    tpu.enqueue_dma source(%dma_start3A_49 : memref<2048xf32, #tpu.memory_space<hbm>>) target(%dma_start3A_46 : memref<2048xf32, #tpu.memory_space<vmem>>) target_semaphore(%arg9 : memref<!tpu.dma_semaphore, #tpu.memory_space<semaphore_mem>>)
    %add3A_50 = arith.constant 3 : i32
    %add3A_51 = arith.addi %mul3A_2, %add3A_50 : i32
    %dma_start3A_52 = arith.constant 0 : i32
    %dma_start3A_53 = arith.constant 3 : i32
    %dma_start3A_54 = arith.constant 0 : i32
    %dma_start3A_55 = tpu.memref_slice %arg6[%dma_start3A_53, %dma_start3A_54] : memref<8x2048xf32, #tpu.memory_space<vmem>> -> memref<1x2048xf32, #tpu.memory_space<vmem>>
    %dma_start3A_56 = tpu.memref_squeeze %dma_start3A_55 : memref<1x2048xf32, #tpu.memory_space<vmem>> -> memref<2048xf32, #tpu.memory_space<vmem>>
    %dma_start3A_57 = arith.constant 0 : i32
    %dma_start3A_58 = tpu.memref_slice %arg2[%add3A_51, %dma_start3A_52, %dma_start3A_57] : memref<128x32x2048xf32, #tpu.memory_space<hbm>> -> memref<1x1x2048xf32, #tpu.memory_space<hbm>>
    %dma_start3A_59 = tpu.memref_squeeze %dma_start3A_58 : memref<1x1x2048xf32, #tpu.memory_space<hbm>> -> memref<2048xf32, #tpu.memory_space<hbm>>
    %dma_start3A_60 = arith.constant 0 : i32
    %dma_start3A_61 = tpu.memref_slice %arg6[%dma_start3A_53, %dma_start3A_60] : memref<8x2048xf32, #tpu.memory_space<vmem>> -> memref<1x2048xf32, #tpu.memory_space<vmem>>
    %dma_start3A_62 = tpu.memref_squeeze %dma_start3A_61 : memref<1x2048xf32, #tpu.memory_space<vmem>> -> memref<2048xf32, #tpu.memory_space<vmem>>
    %dma_start3A_63 = arith.constant 0 : i32
    %dma_start3A_64 = tpu.memref_slice %arg2[%add3A_51, %dma_start3A_52, %dma_start3A_63] : memref<128x32x2048xf32, #tpu.memory_space<hbm>> -> memref<1x1x2048xf32, #tpu.memory_space<hbm>>
    %dma_start3A_65 = tpu.memref_squeeze %dma_start3A_64 : memref<1x1x2048xf32, #tpu.memory_space<hbm>> -> memref<2048xf32, #tpu.memory_space<hbm>>
    tpu.enqueue_dma source(%dma_start3A_65 : memref<2048xf32, #tpu.memory_space<hbm>>) target(%dma_start3A_62 : memref<2048xf32, #tpu.memory_space<vmem>>) target_semaphore(%arg9 : memref<!tpu.dma_semaphore, #tpu.memory_space<semaphore_mem>>)
    %add3A_66 = arith.constant 4 : i32
    %add3A_67 = arith.addi %mul3A_2, %add3A_66 : i32
    %dma_start3A_68 = arith.constant 0 : i32
    %dma_start3A_69 = arith.constant 4 : i32
    %dma_start3A_70 = arith.constant 0 : i32
    %dma_start3A_71 = tpu.memref_slice %arg6[%dma_start3A_69, %dma_start3A_70] : memref<8x2048xf32, #tpu.memory_space<vmem>> -> memref<1x2048xf32, #tpu.memory_space<vmem>>
    %dma_start3A_72 = tpu.memref_squeeze %dma_start3A_71 : memref<1x2048xf32, #tpu.memory_space<vmem>> -> memref<2048xf32, #tpu.memory_space<vmem>>
    %dma_start3A_73 = arith.constant 0 : i32
    %dma_start3A_74 = tpu.memref_slice %arg2[%add3A_67, %dma_start3A_68, %dma_start3A_73] : memref<128x32x2048xf32, #tpu.memory_space<hbm>> -> memref<1x1x2048xf32, #tpu.memory_space<hbm>>
    %dma_start3A_75 = tpu.memref_squeeze %dma_start3A_74 : memref<1x1x2048xf32, #tpu.memory_space<hbm>> -> memref<2048xf32, #tpu.memory_space<hbm>>
    %dma_start3A_76 = arith.constant 0 : i32
    %dma_start3A_77 = tpu.memref_slice %arg6[%dma_start3A_69, %dma_start3A_76] : memref<8x2048xf32, #tpu.memory_space<vmem>> -> memref<1x2048xf32, #tpu.memory_space<vmem>>
    %dma_start3A_78 = tpu.memref_squeeze %dma_start3A_77 : memref<1x2048xf32, #tpu.memory_space<vmem>> -> memref<2048xf32, #tpu.memory_space<vmem>>
    %dma_start3A_79 = arith.constant 0 : i32
    %dma_start3A_80 = tpu.memref_slice %arg2[%add3A_67, %dma_start3A_68, %dma_start3A_79] : memref<128x32x2048xf32, #tpu.memory_space<hbm>> -> memref<1x1x2048xf32, #tpu.memory_space<hbm>>
    %dma_start3A_81 = tpu.memref_squeeze %dma_start3A_80 : memref<1x1x2048xf32, #tpu.memory_space<hbm>> -> memref<2048xf32, #tpu.memory_space<hbm>>
    tpu.enqueue_dma source(%dma_start3A_81 : memref<2048xf32, #tpu.memory_space<hbm>>) target(%dma_start3A_78 : memref<2048xf32, #tpu.memory_space<vmem>>) target_semaphore(%arg9 : memref<!tpu.dma_semaphore, #tpu.memory_space<semaphore_mem>>)
    %add3A_82 = arith.constant 5 : i32
    %add3A_83 = arith.addi %mul3A_2, %add3A_82 : i32
    %dma_start3A_84 = arith.constant 0 : i32
    %dma_start3A_85 = arith.constant 5 : i32
    %dma_start3A_86 = arith.constant 0 : i32
    %dma_start3A_87 = tpu.memref_slice %arg6[%dma_start3A_85, %dma_start3A_86] : memref<8x2048xf32, #tpu.memory_space<vmem>> -> memref<1x2048xf32, #tpu.memory_space<vmem>>
    %dma_start3A_88 = tpu.memref_squeeze %dma_start3A_87 : memref<1x2048xf32, #tpu.memory_space<vmem>> -> memref<2048xf32, #tpu.memory_space<vmem>>
    %dma_start3A_89 = arith.constant 0 : i32
    %dma_start3A_90 = tpu.memref_slice %arg2[%add3A_83, %dma_start3A_84, %dma_start3A_89] : memref<128x32x2048xf32, #tpu.memory_space<hbm>> -> memref<1x1x2048xf32, #tpu.memory_space<hbm>>
    %dma_start3A_91 = tpu.memref_squeeze %dma_start3A_90 : memref<1x1x2048xf32, #tpu.memory_space<hbm>> -> memref<2048xf32, #tpu.memory_space<hbm>>
    %dma_start3A_92 = arith.constant 0 : i32
    %dma_start3A_93 = tpu.memref_slice %arg6[%dma_start3A_85, %dma_start3A_92] : memref<8x2048xf32, #tpu.memory_space<vmem>> -> memref<1x2048xf32, #tpu.memory_space<vmem>>
    %dma_start3A_94 = tpu.memref_squeeze %dma_start3A_93 : memref<1x2048xf32, #tpu.memory_space<vmem>> -> memref<2048xf32, #tpu.memory_space<vmem>>
    %dma_start3A_95 = arith.constant 0 : i32
    %dma_start3A_96 = tpu.memref_slice %arg2[%add3A_83, %dma_start3A_84, %dma_start3A_95] : memref<128x32x2048xf32, #tpu.memory_space<hbm>> -> memref<1x1x2048xf32, #tpu.memory_space<hbm>>
    %dma_start3A_97 = tpu.memref_squeeze %dma_start3A_96 : memref<1x1x2048xf32, #tpu.memory_space<hbm>> -> memref<2048xf32, #tpu.memory_space<hbm>>
    tpu.enqueue_dma source(%dma_start3A_97 : memref<2048xf32, #tpu.memory_space<hbm>>) target(%dma_start3A_94 : memref<2048xf32, #tpu.memory_space<vmem>>) target_semaphore(%arg9 : memref<!tpu.dma_semaphore, #tpu.memory_space<semaphore_mem>>)
    %add3A_98 = arith.constant 6 : i32
    %add3A_99 = arith.addi %mul3A_2, %add3A_98 : i32
    %dma_start3A_100 = arith.constant 0 : i32
    %dma_start3A_101 = arith.constant 6 : i32
    %dma_start3A_102 = arith.constant 0 : i32
    %dma_start3A_103 = tpu.memref_slice %arg6[%dma_start3A_101, %dma_start3A_102] : memref<8x2048xf32, #tpu.memory_space<vmem>> -> memref<1x2048xf32, #tpu.memory_space<vmem>>
    %dma_start3A_104 = tpu.memref_squeeze %dma_start3A_103 : memref<1x2048xf32, #tpu.memory_space<vmem>> -> memref<2048xf32, #tpu.memory_space<vmem>>
    %dma_start3A_105 = arith.constant 0 : i32
    %dma_start3A_106 = tpu.memref_slice %arg2[%add3A_99, %dma_start3A_100, %dma_start3A_105] : memref<128x32x2048xf32, #tpu.memory_space<hbm>> -> memref<1x1x2048xf32, #tpu.memory_space<hbm>>
    %dma_start3A_107 = tpu.memref_squeeze %dma_start3A_106 : memref<1x1x2048xf32, #tpu.memory_space<hbm>> -> memref<2048xf32, #tpu.memory_space<hbm>>
    %dma_start3A_108 = arith.constant 0 : i32
    %dma_start3A_109 = tpu.memref_slice %arg6[%dma_start3A_101, %dma_start3A_108] : memref<8x2048xf32, #tpu.memory_space<vmem>> -> memref<1x2048xf32, #tpu.memory_space<vmem>>
    %dma_start3A_110 = tpu.memref_squeeze %dma_start3A_109 : memref<1x2048xf32, #tpu.memory_space<vmem>> -> memref<2048xf32, #tpu.memory_space<vmem>>
    %dma_start3A_111 = arith.constant 0 : i32
    %dma_start3A_112 = tpu.memref_slice %arg2[%add3A_99, %dma_start3A_100, %dma_start3A_111] : memref<128x32x2048xf32, #tpu.memory_space<hbm>> -> memref<1x1x2048xf32, #tpu.memory_space<hbm>>
    %dma_start3A_113 = tpu.memref_squeeze %dma_start3A_112 : memref<1x1x2048xf32, #tpu.memory_space<hbm>> -> memref<2048xf32, #tpu.memory_space<hbm>>
    tpu.enqueue_dma source(%dma_start3A_113 : memref<2048xf32, #tpu.memory_space<hbm>>) target(%dma_start3A_110 : memref<2048xf32, #tpu.memory_space<vmem>>) target_semaphore(%arg9 : memref<!tpu.dma_semaphore, #tpu.memory_space<semaphore_mem>>)
    %add3A_114 = arith.constant 7 : i32
    %add3A_115 = arith.addi %mul3A_2, %add3A_114 : i32
    %dma_start3A_116 = arith.constant 0 : i32
    %dma_start3A_117 = arith.constant 7 : i32
    %dma_start3A_118 = arith.constant 0 : i32
    %dma_start3A_119 = tpu.memref_slice %arg6[%dma_start3A_117, %dma_start3A_118] : memref<8x2048xf32, #tpu.memory_space<vmem>> -> memref<1x2048xf32, #tpu.memory_space<vmem>>
    %dma_start3A_120 = tpu.memref_squeeze %dma_start3A_119 : memref<1x2048xf32, #tpu.memory_space<vmem>> -> memref<2048xf32, #tpu.memory_space<vmem>>
    %dma_start3A_121 = arith.constant 0 : i32
    %dma_start3A_122 = tpu.memref_slice %arg2[%add3A_115, %dma_start3A_116, %dma_start3A_121] : memref<128x32x2048xf32, #tpu.memory_space<hbm>> -> memref<1x1x2048xf32, #tpu.memory_space<hbm>>
    %dma_start3A_123 = tpu.memref_squeeze %dma_start3A_122 : memref<1x1x2048xf32, #tpu.memory_space<hbm>> -> memref<2048xf32, #tpu.memory_space<hbm>>
    %dma_start3A_124 = arith.constant 0 : i32
    %dma_start3A_125 = tpu.memref_slice %arg6[%dma_start3A_117, %dma_start3A_124] : memref<8x2048xf32, #tpu.memory_space<vmem>> -> memref<1x2048xf32, #tpu.memory_space<vmem>>
    %dma_start3A_126 = tpu.memref_squeeze %dma_start3A_125 : memref<1x2048xf32, #tpu.memory_space<vmem>> -> memref<2048xf32, #tpu.memory_space<vmem>>
    %dma_start3A_127 = arith.constant 0 : i32
    %dma_start3A_128 = tpu.memref_slice %arg2[%add3A_115, %dma_start3A_116, %dma_start3A_127] : memref<128x32x2048xf32, #tpu.memory_space<hbm>> -> memref<1x1x2048xf32, #tpu.memory_space<hbm>>
    %dma_start3A_129 = tpu.memref_squeeze %dma_start3A_128 : memref<1x1x2048xf32, #tpu.memory_space<hbm>> -> memref<2048xf32, #tpu.memory_space<hbm>>
    tpu.enqueue_dma source(%dma_start3A_129 : memref<2048xf32, #tpu.memory_space<hbm>>) target(%dma_start3A_126 : memref<2048xf32, #tpu.memory_space<vmem>>) target_semaphore(%arg9 : memref<!tpu.dma_semaphore, #tpu.memory_space<semaphore_mem>>)
    %eq3A = arith.constant 0 : i32
    %eq3A_130 = arith.cmpi eq, %add3A, %eq3A : i32
    %convert_element_type3A = arith.extui %eq3A_130 : i1 to i32
    %cond3A = arith.constant 0 : i32
    %cond3A_131 = arith.cmpi ne, %convert_element_type3A, %cond3A : i32
    scf.if %cond3A_131 {
      %iota3A = tpu.iota {dimensions = array<i32: 0>} : vector<16xi32>
      %add3A_467 = arith.constant 0 : i32
      %add3A_468 = vector.broadcast %add3A_467 : i32 to vector<16xi32>
      %add3A_469 = arith.addi %iota3A, %add3A_468 : vector<16xi32>
      %mul3A_470 = arith.constant 32 : i32
      %mul3A_471 = vector.broadcast %mul3A_470 : i32 to vector<16xi32>
      %mul3A_472 = arith.muli %add3A_469, %mul3A_471 : vector<16xi32>
      %swap3A = arith.constant 0 : index
      %swap3A_473 = tpu.vector_load %arg7[%swap3A] {strides = array<i32>} : memref<128xi32, #tpu.memory_space<vmem>>, vector<16xi32>,
      %swap3A_474 = vector.shape_cast %swap3A_473 : vector<16xi32> to vector<16xi32>
      %swap3A_475 = vector.shape_cast %mul3A_472 : vector<16xi32> to vector<16xi32>
      tpu.vector_store %arg7[%swap3A], %swap3A_475 {strides = array<i32>} : memref<128xi32, #tpu.memory_space<vmem>>, vector<16xi32>,
      %iota3A_476 = tpu.iota {dimensions = array<i32: 0>} : vector<16xi32>
      %add3A_477 = arith.constant 16 : i32
      %add3A_478 = vector.broadcast %add3A_477 : i32 to vector<16xi32>
      %add3A_479 = arith.addi %iota3A_476, %add3A_478 : vector<16xi32>
      %mul3A_480 = arith.constant 32 : i32
      %mul3A_481 = vector.broadcast %mul3A_480 : i32 to vector<16xi32>
      %mul3A_482 = arith.muli %add3A_479, %mul3A_481 : vector<16xi32>
      %swap3A_483 = arith.constant 16 : index
      %swap3A_484 = tpu.vector_load %arg7[%swap3A_483] {strides = array<i32>} : memref<128xi32, #tpu.memory_space<vmem>>, vector<16xi32>,
      %swap3A_485 = vector.shape_cast %swap3A_484 : vector<16xi32> to vector<16xi32>
      %swap3A_486 = vector.shape_cast %mul3A_482 : vector<16xi32> to vector<16xi32>
      tpu.vector_store %arg7[%swap3A_483], %swap3A_486 {strides = array<i32>} : memref<128xi32, #tpu.memory_space<vmem>>, vector<16xi32>,
      %iota3A_487 = tpu.iota {dimensions = array<i32: 0>} : vector<16xi32>
      %add3A_488 = arith.constant 32 : i32
      %add3A_489 = vector.broadcast %add3A_488 : i32 to vector<16xi32>
      %add3A_490 = arith.addi %iota3A_487, %add3A_489 : vector<16xi32>
      %mul3A_491 = arith.constant 32 : i32
      %mul3A_492 = vector.broadcast %mul3A_491 : i32 to vector<16xi32>
      %mul3A_493 = arith.muli %add3A_490, %mul3A_492 : vector<16xi32>
      %swap3A_494 = arith.constant 32 : index
      %swap3A_495 = tpu.vector_load %arg7[%swap3A_494] {strides = array<i32>} : memref<128xi32, #tpu.memory_space<vmem>>, vector<16xi32>,
      %swap3A_496 = vector.shape_cast %swap3A_495 : vector<16xi32> to vector<16xi32>
      %swap3A_497 = vector.shape_cast %mul3A_493 : vector<16xi32> to vector<16xi32>
      tpu.vector_store %arg7[%swap3A_494], %swap3A_497 {strides = array<i32>} : memref<128xi32, #tpu.memory_space<vmem>>, vector<16xi32>,
      %iota3A_498 = tpu.iota {dimensions = array<i32: 0>} : vector<16xi32>
      %add3A_499 = arith.constant 48 : i32
      %add3A_500 = vector.broadcast %add3A_499 : i32 to vector<16xi32>
      %add3A_501 = arith.addi %iota3A_498, %add3A_500 : vector<16xi32>
      %mul3A_502 = arith.constant 32 : i32
      %mul3A_503 = vector.broadcast %mul3A_502 : i32 to vector<16xi32>
      %mul3A_504 = arith.muli %add3A_501, %mul3A_503 : vector<16xi32>
      %swap3A_505 = arith.constant 48 : index
      %swap3A_506 = tpu.vector_load %arg7[%swap3A_505] {strides = array<i32>} : memref<128xi32, #tpu.memory_space<vmem>>, vector<16xi32>,
      %swap3A_507 = vector.shape_cast %swap3A_506 : vector<16xi32> to vector<16xi32>
      %swap3A_508 = vector.shape_cast %mul3A_504 : vector<16xi32> to vector<16xi32>
      tpu.vector_store %arg7[%swap3A_505], %swap3A_508 {strides = array<i32>} : memref<128xi32, #tpu.memory_space<vmem>>, vector<16xi32>,
      %iota3A_509 = tpu.iota {dimensions = array<i32: 0>} : vector<16xi32>
      %add3A_510 = arith.constant 64 : i32
      %add3A_511 = vector.broadcast %add3A_510 : i32 to vector<16xi32>
      %add3A_512 = arith.addi %iota3A_509, %add3A_511 : vector<16xi32>
      %mul3A_513 = arith.constant 32 : i32
      %mul3A_514 = vector.broadcast %mul3A_513 : i32 to vector<16xi32>
      %mul3A_515 = arith.muli %add3A_512, %mul3A_514 : vector<16xi32>
      %swap3A_516 = arith.constant 64 : index
      %swap3A_517 = tpu.vector_load %arg7[%swap3A_516] {strides = array<i32>} : memref<128xi32, #tpu.memory_space<vmem>>, vector<16xi32>,
      %swap3A_518 = vector.shape_cast %swap3A_517 : vector<16xi32> to vector<16xi32>
      %swap3A_519 = vector.shape_cast %mul3A_515 : vector<16xi32> to vector<16xi32>
      tpu.vector_store %arg7[%swap3A_516], %swap3A_519 {strides = array<i32>} : memref<128xi32, #tpu.memory_space<vmem>>, vector<16xi32>,
      %iota3A_520 = tpu.iota {dimensions = array<i32: 0>} : vector<16xi32>
      %add3A_521 = arith.constant 80 : i32
      %add3A_522 = vector.broadcast %add3A_521 : i32 to vector<16xi32>
      %add3A_523 = arith.addi %iota3A_520, %add3A_522 : vector<16xi32>
      %mul3A_524 = arith.constant 32 : i32
      %mul3A_525 = vector.broadcast %mul3A_524 : i32 to vector<16xi32>
      %mul3A_526 = arith.muli %add3A_523, %mul3A_525 : vector<16xi32>
      %swap3A_527 = arith.constant 80 : index
      %swap3A_528 = tpu.vector_load %arg7[%swap3A_527] {strides = array<i32>} : memref<128xi32, #tpu.memory_space<vmem>>, vector<16xi32>,
      %swap3A_529 = vector.shape_cast %swap3A_528 : vector<16xi32> to vector<16xi32>
      %swap3A_530 = vector.shape_cast %mul3A_526 : vector<16xi32> to vector<16xi32>
      tpu.vector_store %arg7[%swap3A_527], %swap3A_530 {strides = array<i32>} : memref<128xi32, #tpu.memory_space<vmem>>, vector<16xi32>,
      %iota3A_531 = tpu.iota {dimensions = array<i32: 0>} : vector<16xi32>
      %add3A_532 = arith.constant 96 : i32
      %add3A_533 = vector.broadcast %add3A_532 : i32 to vector<16xi32>
      %add3A_534 = arith.addi %iota3A_531, %add3A_533 : vector<16xi32>
      %mul3A_535 = arith.constant 32 : i32
      %mul3A_536 = vector.broadcast %mul3A_535 : i32 to vector<16xi32>
      %mul3A_537 = arith.muli %add3A_534, %mul3A_536 : vector<16xi32>
      %swap3A_538 = arith.constant 96 : index
      %swap3A_539 = tpu.vector_load %arg7[%swap3A_538] {strides = array<i32>} : memref<128xi32, #tpu.memory_space<vmem>>, vector<16xi32>,
      %swap3A_540 = vector.shape_cast %swap3A_539 : vector<16xi32> to vector<16xi32>
      %swap3A_541 = vector.shape_cast %mul3A_537 : vector<16xi32> to vector<16xi32>
      tpu.vector_store %arg7[%swap3A_538], %swap3A_541 {strides = array<i32>} : memref<128xi32, #tpu.memory_space<vmem>>, vector<16xi32>,
      %iota3A_542 = tpu.iota {dimensions = array<i32: 0>} : vector<16xi32>
      %add3A_543 = arith.constant 112 : i32
      %add3A_544 = vector.broadcast %add3A_543 : i32 to vector<16xi32>
      %add3A_545 = arith.addi %iota3A_542, %add3A_544 : vector<16xi32>
      %mul3A_546 = arith.constant 32 : i32
      %mul3A_547 = vector.broadcast %mul3A_546 : i32 to vector<16xi32>
      %mul3A_548 = arith.muli %add3A_545, %mul3A_547 : vector<16xi32>
      %swap3A_549 = arith.constant 112 : index
      %swap3A_550 = tpu.vector_load %arg7[%swap3A_549] {strides = array<i32>} : memref<128xi32, #tpu.memory_space<vmem>>, vector<16xi32>,
      %swap3A_551 = vector.shape_cast %swap3A_550 : vector<16xi32> to vector<16xi32>
      %swap3A_552 = vector.shape_cast %mul3A_548 : vector<16xi32> to vector<16xi32>
      tpu.vector_store %arg7[%swap3A_549], %swap3A_552 {strides = array<i32>} : memref<128xi32, #tpu.memory_space<vmem>>, vector<16xi32>,
      %dma_start3A_553 = arith.constant 0 : i32
      %dma_start3A_554 = tpu.memref_slice %arg3[%dma_start3A_553] : memref<4096xi32, #tpu.memory_space<hbm>> -> memref<4096xi32, #tpu.memory_space<hbm>>
      tpu.enqueue_indirect_dma source(%dma_start3A_554 : memref<4096xi32, #tpu.memory_space<hbm>>) target(%arg8 : memref<128xi32, #tpu.memory_space<vmem>>) offsets(%arg7 : memref<128xi32, #tpu.memory_space<vmem>>) semaphore(%arg10 : memref<!tpu.dma_semaphore, #tpu.memory_space<semaphore_mem>>)
      %dma_wait3A_555 = arith.constant 0 : i32
      %dma_wait3A_556 = tpu.memref_slice %arg3[%dma_wait3A_555] : memref<4096xi32, #tpu.memory_space<hbm>> -> memref<4096xi32, #tpu.memory_space<hbm>>
      tpu.wait_indirect_dma semaphore(%arg10 : memref<!tpu.dma_semaphore, #tpu.memory_space<semaphore_mem>>) src(%dma_wait3A_556 : memref<4096xi32, #tpu.memory_space<hbm>>) dst(%arg8 : memref<128xi32, #tpu.memory_space<vmem>>)
      "tpu.region"() ({
        %run_scoped3A = tpu.sem_alloc : memref<!tpu.dma_semaphore, #tpu.memory_space<semaphore_mem>>
        tpu.enqueue_dma source(%arg8 : memref<128xi32, #tpu.memory_space<vmem>>) target(%arg5 : memref<128xi32, #tpu.memory_space<hbm>>) target_semaphore(%run_scoped3A : memref<!tpu.dma_semaphore, #tpu.memory_space<semaphore_mem>>)
        tpu.wait_dma2 semaphore(%run_scoped3A : memref<!tpu.dma_semaphore, #tpu.memory_space<semaphore_mem>>) src(%arg8 : memref<128xi32, #tpu.memory_space<vmem>>) dst(%arg5 : memref<128xi32, #tpu.memory_space<hbm>>)
        tpu.yield
      }) : () -> ()
    } else {
    }
    %dma_wait3A = arith.constant 0 : i32
    %dma_wait3A_132 = arith.constant 0 : i32
    %dma_wait3A_133 = arith.constant 0 : i32
    %dma_wait3A_134 = tpu.memref_slice %arg6[%dma_wait3A_132, %dma_wait3A_133] : memref<8x2048xf32, #tpu.memory_space<vmem>> -> memref<1x2048xf32, #tpu.memory_space<vmem>>
    %dma_wait3A_135 = tpu.memref_squeeze %dma_wait3A_134 : memref<1x2048xf32, #tpu.memory_space<vmem>> -> memref<2048xf32, #tpu.memory_space<vmem>>
    %dma_wait3A_136 = arith.constant 0 : i32
    %dma_wait3A_137 = tpu.memref_slice %arg2[%add3A_4, %dma_wait3A, %dma_wait3A_136] : memref<128x32x2048xf32, #tpu.memory_space<hbm>> -> memref<1x1x2048xf32, #tpu.memory_space<hbm>>
    %dma_wait3A_138 = tpu.memref_squeeze %dma_wait3A_137 : memref<1x1x2048xf32, #tpu.memory_space<hbm>> -> memref<2048xf32, #tpu.memory_space<hbm>>
    %dma_wait3A_139 = arith.constant 0 : i32
    %dma_wait3A_140 = tpu.memref_slice %arg6[%dma_wait3A_132, %dma_wait3A_139] : memref<8x2048xf32, #tpu.memory_space<vmem>> -> memref<1x2048xf32, #tpu.memory_space<vmem>>
    %dma_wait3A_141 = tpu.memref_squeeze %dma_wait3A_140 : memref<1x2048xf32, #tpu.memory_space<vmem>> -> memref<2048xf32, #tpu.memory_space<vmem>>
    %dma_wait3A_142 = arith.constant 0 : i32
    %dma_wait3A_143 = tpu.memref_slice %arg2[%add3A_4, %dma_wait3A, %dma_wait3A_142] : memref<128x32x2048xf32, #tpu.memory_space<hbm>> -> memref<1x1x2048xf32, #tpu.memory_space<hbm>>
    %dma_wait3A_144 = tpu.memref_squeeze %dma_wait3A_143 : memref<1x1x2048xf32, #tpu.memory_space<hbm>> -> memref<2048xf32, #tpu.memory_space<hbm>>
    tpu.wait_dma2 semaphore(%arg9 : memref<!tpu.dma_semaphore, #tpu.memory_space<semaphore_mem>>) src(%dma_wait3A_144 : memref<2048xf32, #tpu.memory_space<hbm>>) dst(%dma_wait3A_141 : memref<2048xf32, #tpu.memory_space<vmem>>)
    %add3A_145 = arith.constant 0 : i32
    %add3A_146 = arith.addi %mul3A_2, %add3A_145 : i32
    %dma_start3A_147 = arith.constant 0 : i32
    %dma_start3A_148 = arith.constant 0 : i32
    %dma_start3A_149 = tpu.memref_slice %arg6[%dma_start3A_147, %dma_start3A_148] : memref<8x2048xf32, #tpu.memory_space<vmem>> -> memref<1x2048xf32, #tpu.memory_space<vmem>>
    %dma_start3A_150 = tpu.memref_squeeze %dma_start3A_149 : memref<1x2048xf32, #tpu.memory_space<vmem>> -> memref<2048xf32, #tpu.memory_space<vmem>>
    %dma_start3A_151 = arith.constant 0 : i32
    %dma_start3A_152 = tpu.memref_slice %arg4[%add3A_146, %dma_start3A_151] : memref<128x2048xf32, #tpu.memory_space<hbm>> -> memref<1x2048xf32, #tpu.memory_space<hbm>>
    %dma_start3A_153 = tpu.memref_squeeze %dma_start3A_152 : memref<1x2048xf32, #tpu.memory_space<hbm>> -> memref<2048xf32, #tpu.memory_space<hbm>>
    %dma_start3A_154 = arith.constant 0 : i32
    %dma_start3A_155 = tpu.memref_slice %arg4[%add3A_146, %dma_start3A_154] : memref<128x2048xf32, #tpu.memory_space<hbm>> -> memref<1x2048xf32, #tpu.memory_space<hbm>>
    %dma_start3A_156 = tpu.memref_squeeze %dma_start3A_155 : memref<1x2048xf32, #tpu.memory_space<hbm>> -> memref<2048xf32, #tpu.memory_space<hbm>>
    %dma_start3A_157 = arith.constant 0 : i32
    %dma_start3A_158 = tpu.memref_slice %arg6[%dma_start3A_147, %dma_start3A_157] : memref<8x2048xf32, #tpu.memory_space<vmem>> -> memref<1x2048xf32, #tpu.memory_space<vmem>>
    %dma_start3A_159 = tpu.memref_squeeze %dma_start3A_158 : memref<1x2048xf32, #tpu.memory_space<vmem>> -> memref<2048xf32, #tpu.memory_space<vmem>>
    tpu.enqueue_dma source(%dma_start3A_159 : memref<2048xf32, #tpu.memory_space<vmem>>) target(%dma_start3A_156 : memref<2048xf32, #tpu.memory_space<hbm>>) target_semaphore(%arg11 : memref<!tpu.dma_semaphore, #tpu.memory_space<semaphore_mem>>)
    %dma_wait3A_160 = arith.constant 0 : i32
    %dma_wait3A_161 = arith.constant 1 : i32
    %dma_wait3A_162 = arith.constant 0 : i32
    %dma_wait3A_163 = tpu.memref_slice %arg6[%dma_wait3A_161, %dma_wait3A_162] : memref<8x2048xf32, #tpu.memory_space<vmem>> -> memref<1x2048xf32, #tpu.memory_space<vmem>>
    %dma_wait3A_164 = tpu.memref_squeeze %dma_wait3A_163 : memref<1x2048xf32, #tpu.memory_space<vmem>> -> memref<2048xf32, #tpu.memory_space<vmem>>
    %dma_wait3A_165 = arith.constant 0 : i32
    %dma_wait3A_166 = tpu.memref_slice %arg2[%add3A_19, %dma_wait3A_160, %dma_wait3A_165] : memref<128x32x2048xf32, #tpu.memory_space<hbm>> -> memref<1x1x2048xf32, #tpu.memory_space<hbm>>
    %dma_wait3A_167 = tpu.memref_squeeze %dma_wait3A_166 : memref<1x1x2048xf32, #tpu.memory_space<hbm>> -> memref<2048xf32, #tpu.memory_space<hbm>>
    %dma_wait3A_168 = arith.constant 0 : i32
    %dma_wait3A_169 = tpu.memref_slice %arg6[%dma_wait3A_161, %dma_wait3A_168] : memref<8x2048xf32, #tpu.memory_space<vmem>> -> memref<1x2048xf32, #tpu.memory_space<vmem>>
    %dma_wait3A_170 = tpu.memref_squeeze %dma_wait3A_169 : memref<1x2048xf32, #tpu.memory_space<vmem>> -> memref<2048xf32, #tpu.memory_space<vmem>>
    %dma_wait3A_171 = arith.constant 0 : i32
    %dma_wait3A_172 = tpu.memref_slice %arg2[%add3A_19, %dma_wait3A_160, %dma_wait3A_171] : memref<128x32x2048xf32, #tpu.memory_space<hbm>> -> memref<1x1x2048xf32, #tpu.memory_space<hbm>>
    %dma_wait3A_173 = tpu.memref_squeeze %dma_wait3A_172 : memref<1x1x2048xf32, #tpu.memory_space<hbm>> -> memref<2048xf32, #tpu.memory_space<hbm>>
    tpu.wait_dma2 semaphore(%arg9 : memref<!tpu.dma_semaphore, #tpu.memory_space<semaphore_mem>>) src(%dma_wait3A_173 : memref<2048xf32, #tpu.memory_space<hbm>>) dst(%dma_wait3A_170 : memref<2048xf32, #tpu.memory_space<vmem>>)
    %add3A_174 = arith.constant 1 : i32
    %add3A_175 = arith.addi %mul3A_2, %add3A_174 : i32
    %dma_start3A_176 = arith.constant 1 : i32
    %dma_start3A_177 = arith.constant 0 : i32
    %dma_start3A_178 = tpu.memref_slice %arg6[%dma_start3A_176, %dma_start3A_177] : memref<8x2048xf32, #tpu.memory_space<vmem>> -> memref<1x2048xf32, #tpu.memory_space<vmem>>
    %dma_start3A_179 = tpu.memref_squeeze %dma_start3A_178 : memref<1x2048xf32, #tpu.memory_space<vmem>> -> memref<2048xf32, #tpu.memory_space<vmem>>
    %dma_start3A_180 = arith.constant 0 : i32
    %dma_start3A_181 = tpu.memref_slice %arg4[%add3A_175, %dma_start3A_180] : memref<128x2048xf32, #tpu.memory_space<hbm>> -> memref<1x2048xf32, #tpu.memory_space<hbm>>
    %dma_start3A_182 = tpu.memref_squeeze %dma_start3A_181 : memref<1x2048xf32, #tpu.memory_space<hbm>> -> memref<2048xf32, #tpu.memory_space<hbm>>
    %dma_start3A_183 = arith.constant 0 : i32
    %dma_start3A_184 = tpu.memref_slice %arg4[%add3A_175, %dma_start3A_183] : memref<128x2048xf32, #tpu.memory_space<hbm>> -> memref<1x2048xf32, #tpu.memory_space<hbm>>
    %dma_start3A_185 = tpu.memref_squeeze %dma_start3A_184 : memref<1x2048xf32, #tpu.memory_space<hbm>> -> memref<2048xf32, #tpu.memory_space<hbm>>
    %dma_start3A_186 = arith.constant 0 : i32
    %dma_start3A_187 = tpu.memref_slice %arg6[%dma_start3A_176, %dma_start3A_186] : memref<8x2048xf32, #tpu.memory_space<vmem>> -> memref<1x2048xf32, #tpu.memory_space<vmem>>
    %dma_start3A_188 = tpu.memref_squeeze %dma_start3A_187 : memref<1x2048xf32, #tpu.memory_space<vmem>> -> memref<2048xf32, #tpu.memory_space<vmem>>
    tpu.enqueue_dma source(%dma_start3A_188 : memref<2048xf32, #tpu.memory_space<vmem>>) target(%dma_start3A_185 : memref<2048xf32, #tpu.memory_space<hbm>>) target_semaphore(%arg11 : memref<!tpu.dma_semaphore, #tpu.memory_space<semaphore_mem>>)
    %dma_wait3A_189 = arith.constant 0 : i32
    %dma_wait3A_190 = arith.constant 2 : i32
    %dma_wait3A_191 = arith.constant 0 : i32
    %dma_wait3A_192 = tpu.memref_slice %arg6[%dma_wait3A_190, %dma_wait3A_191] : memref<8x2048xf32, #tpu.memory_space<vmem>> -> memref<1x2048xf32, #tpu.memory_space<vmem>>
    %dma_wait3A_193 = tpu.memref_squeeze %dma_wait3A_192 : memref<1x2048xf32, #tpu.memory_space<vmem>> -> memref<2048xf32, #tpu.memory_space<vmem>>
    %dma_wait3A_194 = arith.constant 0 : i32
    %dma_wait3A_195 = tpu.memref_slice %arg2[%add3A_35, %dma_wait3A_189, %dma_wait3A_194] : memref<128x32x2048xf32, #tpu.memory_space<hbm>> -> memref<1x1x2048xf32, #tpu.memory_space<hbm>>
    %dma_wait3A_196 = tpu.memref_squeeze %dma_wait3A_195 : memref<1x1x2048xf32, #tpu.memory_space<hbm>> -> memref<2048xf32, #tpu.memory_space<hbm>>
    %dma_wait3A_197 = arith.constant 0 : i32
    %dma_wait3A_198 = tpu.memref_slice %arg6[%dma_wait3A_190, %dma_wait3A_197] : memref<8x2048xf32, #tpu.memory_space<vmem>> -> memref<1x2048xf32, #tpu.memory_space<vmem>>
    %dma_wait3A_199 = tpu.memref_squeeze %dma_wait3A_198 : memref<1x2048xf32, #tpu.memory_space<vmem>> -> memref<2048xf32, #tpu.memory_space<vmem>>
    %dma_wait3A_200 = arith.constant 0 : i32
    %dma_wait3A_201 = tpu.memref_slice %arg2[%add3A_35, %dma_wait3A_189, %dma_wait3A_200] : memref<128x32x2048xf32, #tpu.memory_space<hbm>> -> memref<1x1x2048xf32, #tpu.memory_space<hbm>>
    %dma_wait3A_202 = tpu.memref_squeeze %dma_wait3A_201 : memref<1x1x2048xf32, #tpu.memory_space<hbm>> -> memref<2048xf32, #tpu.memory_space<hbm>>
    tpu.wait_dma2 semaphore(%arg9 : memref<!tpu.dma_semaphore, #tpu.memory_space<semaphore_mem>>) src(%dma_wait3A_202 : memref<2048xf32, #tpu.memory_space<hbm>>) dst(%dma_wait3A_199 : memref<2048xf32, #tpu.memory_space<vmem>>)
    %add3A_203 = arith.constant 2 : i32
    %add3A_204 = arith.addi %mul3A_2, %add3A_203 : i32
    %dma_start3A_205 = arith.constant 2 : i32
    %dma_start3A_206 = arith.constant 0 : i32
    %dma_start3A_207 = tpu.memref_slice %arg6[%dma_start3A_205, %dma_start3A_206] : memref<8x2048xf32, #tpu.memory_space<vmem>> -> memref<1x2048xf32, #tpu.memory_space<vmem>>
    %dma_start3A_208 = tpu.memref_squeeze %dma_start3A_207 : memref<1x2048xf32, #tpu.memory_space<vmem>> -> memref<2048xf32, #tpu.memory_space<vmem>>
    %dma_start3A_209 = arith.constant 0 : i32
    %dma_start3A_210 = tpu.memref_slice %arg4[%add3A_204, %dma_start3A_209] : memref<128x2048xf32, #tpu.memory_space<hbm>> -> memref<1x2048xf32, #tpu.memory_space<hbm>>
    %dma_start3A_211 = tpu.memref_squeeze %dma_start3A_210 : memref<1x2048xf32, #tpu.memory_space<hbm>> -> memref<2048xf32, #tpu.memory_space<hbm>>
    %dma_start3A_212 = arith.constant 0 : i32
    %dma_start3A_213 = tpu.memref_slice %arg4[%add3A_204, %dma_start3A_212] : memref<128x2048xf32, #tpu.memory_space<hbm>> -> memref<1x2048xf32, #tpu.memory_space<hbm>>
    %dma_start3A_214 = tpu.memref_squeeze %dma_start3A_213 : memref<1x2048xf32, #tpu.memory_space<hbm>> -> memref<2048xf32, #tpu.memory_space<hbm>>
    %dma_start3A_215 = arith.constant 0 : i32
    %dma_start3A_216 = tpu.memref_slice %arg6[%dma_start3A_205, %dma_start3A_215] : memref<8x2048xf32, #tpu.memory_space<vmem>> -> memref<1x2048xf32, #tpu.memory_space<vmem>>
    %dma_start3A_217 = tpu.memref_squeeze %dma_start3A_216 : memref<1x2048xf32, #tpu.memory_space<vmem>> -> memref<2048xf32, #tpu.memory_space<vmem>>
    tpu.enqueue_dma source(%dma_start3A_217 : memref<2048xf32, #tpu.memory_space<vmem>>) target(%dma_start3A_214 : memref<2048xf32, #tpu.memory_space<hbm>>) target_semaphore(%arg11 : memref<!tpu.dma_semaphore, #tpu.memory_space<semaphore_mem>>)
    %dma_wait3A_218 = arith.constant 0 : i32
    %dma_wait3A_219 = arith.constant 3 : i32
    %dma_wait3A_220 = arith.constant 0 : i32
    %dma_wait3A_221 = tpu.memref_slice %arg6[%dma_wait3A_219, %dma_wait3A_220] : memref<8x2048xf32, #tpu.memory_space<vmem>> -> memref<1x2048xf32, #tpu.memory_space<vmem>>
    %dma_wait3A_222 = tpu.memref_squeeze %dma_wait3A_221 : memref<1x2048xf32, #tpu.memory_space<vmem>> -> memref<2048xf32, #tpu.memory_space<vmem>>
    %dma_wait3A_223 = arith.constant 0 : i32
    %dma_wait3A_224 = tpu.memref_slice %arg2[%add3A_51, %dma_wait3A_218, %dma_wait3A_223] : memref<128x32x2048xf32, #tpu.memory_space<hbm>> -> memref<1x1x2048xf32, #tpu.memory_space<hbm>>
    %dma_wait3A_225 = tpu.memref_squeeze %dma_wait3A_224 : memref<1x1x2048xf32, #tpu.memory_space<hbm>> -> memref<2048xf32, #tpu.memory_space<hbm>>
    %dma_wait3A_226 = arith.constant 0 : i32
    %dma_wait3A_227 = tpu.memref_slice %arg6[%dma_wait3A_219, %dma_wait3A_226] : memref<8x2048xf32, #tpu.memory_space<vmem>> -> memref<1x2048xf32, #tpu.memory_space<vmem>>
    %dma_wait3A_228 = tpu.memref_squeeze %dma_wait3A_227 : memref<1x2048xf32, #tpu.memory_space<vmem>> -> memref<2048xf32, #tpu.memory_space<vmem>>
    %dma_wait3A_229 = arith.constant 0 : i32
    %dma_wait3A_230 = tpu.memref_slice %arg2[%add3A_51, %dma_wait3A_218, %dma_wait3A_229] : memref<128x32x2048xf32, #tpu.memory_space<hbm>> -> memref<1x1x2048xf32, #tpu.memory_space<hbm>>
    %dma_wait3A_231 = tpu.memref_squeeze %dma_wait3A_230 : memref<1x1x2048xf32, #tpu.memory_space<hbm>> -> memref<2048xf32, #tpu.memory_space<hbm>>
    tpu.wait_dma2 semaphore(%arg9 : memref<!tpu.dma_semaphore, #tpu.memory_space<semaphore_mem>>) src(%dma_wait3A_231 : memref<2048xf32, #tpu.memory_space<hbm>>) dst(%dma_wait3A_228 : memref<2048xf32, #tpu.memory_space<vmem>>)
    %add3A_232 = arith.constant 3 : i32
    %add3A_233 = arith.addi %mul3A_2, %add3A_232 : i32
    %dma_start3A_234 = arith.constant 3 : i32
    %dma_start3A_235 = arith.constant 0 : i32
    %dma_start3A_236 = tpu.memref_slice %arg6[%dma_start3A_234, %dma_start3A_235] : memref<8x2048xf32, #tpu.memory_space<vmem>> -> memref<1x2048xf32, #tpu.memory_space<vmem>>
    %dma_start3A_237 = tpu.memref_squeeze %dma_start3A_236 : memref<1x2048xf32, #tpu.memory_space<vmem>> -> memref<2048xf32, #tpu.memory_space<vmem>>
    %dma_start3A_238 = arith.constant 0 : i32
    %dma_start3A_239 = tpu.memref_slice %arg4[%add3A_233, %dma_start3A_238] : memref<128x2048xf32, #tpu.memory_space<hbm>> -> memref<1x2048xf32, #tpu.memory_space<hbm>>
    %dma_start3A_240 = tpu.memref_squeeze %dma_start3A_239 : memref<1x2048xf32, #tpu.memory_space<hbm>> -> memref<2048xf32, #tpu.memory_space<hbm>>
    %dma_start3A_241 = arith.constant 0 : i32
    %dma_start3A_242 = tpu.memref_slice %arg4[%add3A_233, %dma_start3A_241] : memref<128x2048xf32, #tpu.memory_space<hbm>> -> memref<1x2048xf32, #tpu.memory_space<hbm>>
    %dma_start3A_243 = tpu.memref_squeeze %dma_start3A_242 : memref<1x2048xf32, #tpu.memory_space<hbm>> -> memref<2048xf32, #tpu.memory_space<hbm>>
    %dma_start3A_244 = arith.constant 0 : i32
    %dma_start3A_245 = tpu.memref_slice %arg6[%dma_start3A_234, %dma_start3A_244] : memref<8x2048xf32, #tpu.memory_space<vmem>> -> memref<1x2048xf32, #tpu.memory_space<vmem>>
    %dma_start3A_246 = tpu.memref_squeeze %dma_start3A_245 : memref<1x2048xf32, #tpu.memory_space<vmem>> -> memref<2048xf32, #tpu.memory_space<vmem>>
    tpu.enqueue_dma source(%dma_start3A_246 : memref<2048xf32, #tpu.memory_space<vmem>>) target(%dma_start3A_243 : memref<2048xf32, #tpu.memory_space<hbm>>) target_semaphore(%arg11 : memref<!tpu.dma_semaphore, #tpu.memory_space<semaphore_mem>>)
    %dma_wait3A_247 = arith.constant 0 : i32
    %dma_wait3A_248 = arith.constant 4 : i32
    %dma_wait3A_249 = arith.constant 0 : i32
    %dma_wait3A_250 = tpu.memref_slice %arg6[%dma_wait3A_248, %dma_wait3A_249] : memref<8x2048xf32, #tpu.memory_space<vmem>> -> memref<1x2048xf32, #tpu.memory_space<vmem>>
    %dma_wait3A_251 = tpu.memref_squeeze %dma_wait3A_250 : memref<1x2048xf32, #tpu.memory_space<vmem>> -> memref<2048xf32, #tpu.memory_space<vmem>>
    %dma_wait3A_252 = arith.constant 0 : i32
    %dma_wait3A_253 = tpu.memref_slice %arg2[%add3A_67, %dma_wait3A_247, %dma_wait3A_252] : memref<128x32x2048xf32, #tpu.memory_space<hbm>> -> memref<1x1x2048xf32, #tpu.memory_space<hbm>>
    %dma_wait3A_254 = tpu.memref_squeeze %dma_wait3A_253 : memref<1x1x2048xf32, #tpu.memory_space<hbm>> -> memref<2048xf32, #tpu.memory_space<hbm>>
    %dma_wait3A_255 = arith.constant 0 : i32
    %dma_wait3A_256 = tpu.memref_slice %arg6[%dma_wait3A_248, %dma_wait3A_255] : memref<8x2048xf32, #tpu.memory_space<vmem>> -> memref<1x2048xf32, #tpu.memory_space<vmem>>
    %dma_wait3A_257 = tpu.memref_squeeze %dma_wait3A_256 : memref<1x2048xf32, #tpu.memory_space<vmem>> -> memref<2048xf32, #tpu.memory_space<vmem>>
    %dma_wait3A_258 = arith.constant 0 : i32
    %dma_wait3A_259 = tpu.memref_slice %arg2[%add3A_67, %dma_wait3A_247, %dma_wait3A_258] : memref<128x32x2048xf32, #tpu.memory_space<hbm>> -> memref<1x1x2048xf32, #tpu.memory_space<hbm>>
    %dma_wait3A_260 = tpu.memref_squeeze %dma_wait3A_259 : memref<1x1x2048xf32, #tpu.memory_space<hbm>> -> memref<2048xf32, #tpu.memory_space<hbm>>
    tpu.wait_dma2 semaphore(%arg9 : memref<!tpu.dma_semaphore, #tpu.memory_space<semaphore_mem>>) src(%dma_wait3A_260 : memref<2048xf32, #tpu.memory_space<hbm>>) dst(%dma_wait3A_257 : memref<2048xf32, #tpu.memory_space<vmem>>)
    %add3A_261 = arith.constant 4 : i32
    %add3A_262 = arith.addi %mul3A_2, %add3A_261 : i32
    %dma_start3A_263 = arith.constant 4 : i32
    %dma_start3A_264 = arith.constant 0 : i32
    %dma_start3A_265 = tpu.memref_slice %arg6[%dma_start3A_263, %dma_start3A_264] : memref<8x2048xf32, #tpu.memory_space<vmem>> -> memref<1x2048xf32, #tpu.memory_space<vmem>>
    %dma_start3A_266 = tpu.memref_squeeze %dma_start3A_265 : memref<1x2048xf32, #tpu.memory_space<vmem>> -> memref<2048xf32, #tpu.memory_space<vmem>>
    %dma_start3A_267 = arith.constant 0 : i32
    %dma_start3A_268 = tpu.memref_slice %arg4[%add3A_262, %dma_start3A_267] : memref<128x2048xf32, #tpu.memory_space<hbm>> -> memref<1x2048xf32, #tpu.memory_space<hbm>>
    %dma_start3A_269 = tpu.memref_squeeze %dma_start3A_268 : memref<1x2048xf32, #tpu.memory_space<hbm>> -> memref<2048xf32, #tpu.memory_space<hbm>>
    %dma_start3A_270 = arith.constant 0 : i32
    %dma_start3A_271 = tpu.memref_slice %arg4[%add3A_262, %dma_start3A_270] : memref<128x2048xf32, #tpu.memory_space<hbm>> -> memref<1x2048xf32, #tpu.memory_space<hbm>>
    %dma_start3A_272 = tpu.memref_squeeze %dma_start3A_271 : memref<1x2048xf32, #tpu.memory_space<hbm>> -> memref<2048xf32, #tpu.memory_space<hbm>>
    %dma_start3A_273 = arith.constant 0 : i32
    %dma_start3A_274 = tpu.memref_slice %arg6[%dma_start3A_263, %dma_start3A_273] : memref<8x2048xf32, #tpu.memory_space<vmem>> -> memref<1x2048xf32, #tpu.memory_space<vmem>>
    %dma_start3A_275 = tpu.memref_squeeze %dma_start3A_274 : memref<1x2048xf32, #tpu.memory_space<vmem>> -> memref<2048xf32, #tpu.memory_space<vmem>>
    tpu.enqueue_dma source(%dma_start3A_275 : memref<2048xf32, #tpu.memory_space<vmem>>) target(%dma_start3A_272 : memref<2048xf32, #tpu.memory_space<hbm>>) target_semaphore(%arg11 : memref<!tpu.dma_semaphore, #tpu.memory_space<semaphore_mem>>)
    %dma_wait3A_276 = arith.constant 0 : i32
    %dma_wait3A_277 = arith.constant 5 : i32
    %dma_wait3A_278 = arith.constant 0 : i32
    %dma_wait3A_279 = tpu.memref_slice %arg6[%dma_wait3A_277, %dma_wait3A_278] : memref<8x2048xf32, #tpu.memory_space<vmem>> -> memref<1x2048xf32, #tpu.memory_space<vmem>>
    %dma_wait3A_280 = tpu.memref_squeeze %dma_wait3A_279 : memref<1x2048xf32, #tpu.memory_space<vmem>> -> memref<2048xf32, #tpu.memory_space<vmem>>
    %dma_wait3A_281 = arith.constant 0 : i32
    %dma_wait3A_282 = tpu.memref_slice %arg2[%add3A_83, %dma_wait3A_276, %dma_wait3A_281] : memref<128x32x2048xf32, #tpu.memory_space<hbm>> -> memref<1x1x2048xf32, #tpu.memory_space<hbm>>
    %dma_wait3A_283 = tpu.memref_squeeze %dma_wait3A_282 : memref<1x1x2048xf32, #tpu.memory_space<hbm>> -> memref<2048xf32, #tpu.memory_space<hbm>>
    %dma_wait3A_284 = arith.constant 0 : i32
    %dma_wait3A_285 = tpu.memref_slice %arg6[%dma_wait3A_277, %dma_wait3A_284] : memref<8x2048xf32, #tpu.memory_space<vmem>> -> memref<1x2048xf32, #tpu.memory_space<vmem>>
    %dma_wait3A_286 = tpu.memref_squeeze %dma_wait3A_285 : memref<1x2048xf32, #tpu.memory_space<vmem>> -> memref<2048xf32, #tpu.memory_space<vmem>>
    %dma_wait3A_287 = arith.constant 0 : i32
    %dma_wait3A_288 = tpu.memref_slice %arg2[%add3A_83, %dma_wait3A_276, %dma_wait3A_287] : memref<128x32x2048xf32, #tpu.memory_space<hbm>> -> memref<1x1x2048xf32, #tpu.memory_space<hbm>>
    %dma_wait3A_289 = tpu.memref_squeeze %dma_wait3A_288 : memref<1x1x2048xf32, #tpu.memory_space<hbm>> -> memref<2048xf32, #tpu.memory_space<hbm>>
    tpu.wait_dma2 semaphore(%arg9 : memref<!tpu.dma_semaphore, #tpu.memory_space<semaphore_mem>>) src(%dma_wait3A_289 : memref<2048xf32, #tpu.memory_space<hbm>>) dst(%dma_wait3A_286 : memref<2048xf32, #tpu.memory_space<vmem>>)
    %add3A_290 = arith.constant 5 : i32
    %add3A_291 = arith.addi %mul3A_2, %add3A_290 : i32
    %dma_start3A_292 = arith.constant 5 : i32
    %dma_start3A_293 = arith.constant 0 : i32
    %dma_start3A_294 = tpu.memref_slice %arg6[%dma_start3A_292, %dma_start3A_293] : memref<8x2048xf32, #tpu.memory_space<vmem>> -> memref<1x2048xf32, #tpu.memory_space<vmem>>
    %dma_start3A_295 = tpu.memref_squeeze %dma_start3A_294 : memref<1x2048xf32, #tpu.memory_space<vmem>> -> memref<2048xf32, #tpu.memory_space<vmem>>
    %dma_start3A_296 = arith.constant 0 : i32
    %dma_start3A_297 = tpu.memref_slice %arg4[%add3A_291, %dma_start3A_296] : memref<128x2048xf32, #tpu.memory_space<hbm>> -> memref<1x2048xf32, #tpu.memory_space<hbm>>
    %dma_start3A_298 = tpu.memref_squeeze %dma_start3A_297 : memref<1x2048xf32, #tpu.memory_space<hbm>> -> memref<2048xf32, #tpu.memory_space<hbm>>
    %dma_start3A_299 = arith.constant 0 : i32
    %dma_start3A_300 = tpu.memref_slice %arg4[%add3A_291, %dma_start3A_299] : memref<128x2048xf32, #tpu.memory_space<hbm>> -> memref<1x2048xf32, #tpu.memory_space<hbm>>
    %dma_start3A_301 = tpu.memref_squeeze %dma_start3A_300 : memref<1x2048xf32, #tpu.memory_space<hbm>> -> memref<2048xf32, #tpu.memory_space<hbm>>
    %dma_start3A_302 = arith.constant 0 : i32
    %dma_start3A_303 = tpu.memref_slice %arg6[%dma_start3A_292, %dma_start3A_302] : memref<8x2048xf32, #tpu.memory_space<vmem>> -> memref<1x2048xf32, #tpu.memory_space<vmem>>
    %dma_start3A_304 = tpu.memref_squeeze %dma_start3A_303 : memref<1x2048xf32, #tpu.memory_space<vmem>> -> memref<2048xf32, #tpu.memory_space<vmem>>
    tpu.enqueue_dma source(%dma_start3A_304 : memref<2048xf32, #tpu.memory_space<vmem>>) target(%dma_start3A_301 : memref<2048xf32, #tpu.memory_space<hbm>>) target_semaphore(%arg11 : memref<!tpu.dma_semaphore, #tpu.memory_space<semaphore_mem>>)
    %dma_wait3A_305 = arith.constant 0 : i32
    %dma_wait3A_306 = arith.constant 6 : i32
    %dma_wait3A_307 = arith.constant 0 : i32
    %dma_wait3A_308 = tpu.memref_slice %arg6[%dma_wait3A_306, %dma_wait3A_307] : memref<8x2048xf32, #tpu.memory_space<vmem>> -> memref<1x2048xf32, #tpu.memory_space<vmem>>
    %dma_wait3A_309 = tpu.memref_squeeze %dma_wait3A_308 : memref<1x2048xf32, #tpu.memory_space<vmem>> -> memref<2048xf32, #tpu.memory_space<vmem>>
    %dma_wait3A_310 = arith.constant 0 : i32
    %dma_wait3A_311 = tpu.memref_slice %arg2[%add3A_99, %dma_wait3A_305, %dma_wait3A_310] : memref<128x32x2048xf32, #tpu.memory_space<hbm>> -> memref<1x1x2048xf32, #tpu.memory_space<hbm>>
    %dma_wait3A_312 = tpu.memref_squeeze %dma_wait3A_311 : memref<1x1x2048xf32, #tpu.memory_space<hbm>> -> memref<2048xf32, #tpu.memory_space<hbm>>
    %dma_wait3A_313 = arith.constant 0 : i32
    %dma_wait3A_314 = tpu.memref_slice %arg6[%dma_wait3A_306, %dma_wait3A_313] : memref<8x2048xf32, #tpu.memory_space<vmem>> -> memref<1x2048xf32, #tpu.memory_space<vmem>>
    %dma_wait3A_315 = tpu.memref_squeeze %dma_wait3A_314 : memref<1x2048xf32, #tpu.memory_space<vmem>> -> memref<2048xf32, #tpu.memory_space<vmem>>
    %dma_wait3A_316 = arith.constant 0 : i32
    %dma_wait3A_317 = tpu.memref_slice %arg2[%add3A_99, %dma_wait3A_305, %dma_wait3A_316] : memref<128x32x2048xf32, #tpu.memory_space<hbm>> -> memref<1x1x2048xf32, #tpu.memory_space<hbm>>
    %dma_wait3A_318 = tpu.memref_squeeze %dma_wait3A_317 : memref<1x1x2048xf32, #tpu.memory_space<hbm>> -> memref<2048xf32, #tpu.memory_space<hbm>>
    tpu.wait_dma2 semaphore(%arg9 : memref<!tpu.dma_semaphore, #tpu.memory_space<semaphore_mem>>) src(%dma_wait3A_318 : memref<2048xf32, #tpu.memory_space<hbm>>) dst(%dma_wait3A_315 : memref<2048xf32, #tpu.memory_space<vmem>>)
    %add3A_319 = arith.constant 6 : i32
    %add3A_320 = arith.addi %mul3A_2, %add3A_319 : i32
    %dma_start3A_321 = arith.constant 6 : i32
    %dma_start3A_322 = arith.constant 0 : i32
    %dma_start3A_323 = tpu.memref_slice %arg6[%dma_start3A_321, %dma_start3A_322] : memref<8x2048xf32, #tpu.memory_space<vmem>> -> memref<1x2048xf32, #tpu.memory_space<vmem>>
    %dma_start3A_324 = tpu.memref_squeeze %dma_start3A_323 : memref<1x2048xf32, #tpu.memory_space<vmem>> -> memref<2048xf32, #tpu.memory_space<vmem>>
    %dma_start3A_325 = arith.constant 0 : i32
    %dma_start3A_326 = tpu.memref_slice %arg4[%add3A_320, %dma_start3A_325] : memref<128x2048xf32, #tpu.memory_space<hbm>> -> memref<1x2048xf32, #tpu.memory_space<hbm>>
    %dma_start3A_327 = tpu.memref_squeeze %dma_start3A_326 : memref<1x2048xf32, #tpu.memory_space<hbm>> -> memref<2048xf32, #tpu.memory_space<hbm>>
    %dma_start3A_328 = arith.constant 0 : i32
    %dma_start3A_329 = tpu.memref_slice %arg4[%add3A_320, %dma_start3A_328] : memref<128x2048xf32, #tpu.memory_space<hbm>> -> memref<1x2048xf32, #tpu.memory_space<hbm>>
    %dma_start3A_330 = tpu.memref_squeeze %dma_start3A_329 : memref<1x2048xf32, #tpu.memory_space<hbm>> -> memref<2048xf32, #tpu.memory_space<hbm>>
    %dma_start3A_331 = arith.constant 0 : i32
    %dma_start3A_332 = tpu.memref_slice %arg6[%dma_start3A_321, %dma_start3A_331] : memref<8x2048xf32, #tpu.memory_space<vmem>> -> memref<1x2048xf32, #tpu.memory_space<vmem>>
    %dma_start3A_333 = tpu.memref_squeeze %dma_start3A_332 : memref<1x2048xf32, #tpu.memory_space<vmem>> -> memref<2048xf32, #tpu.memory_space<vmem>>
    tpu.enqueue_dma source(%dma_start3A_333 : memref<2048xf32, #tpu.memory_space<vmem>>) target(%dma_start3A_330 : memref<2048xf32, #tpu.memory_space<hbm>>) target_semaphore(%arg11 : memref<!tpu.dma_semaphore, #tpu.memory_space<semaphore_mem>>)
    %dma_wait3A_334 = arith.constant 0 : i32
    %dma_wait3A_335 = arith.constant 7 : i32
    %dma_wait3A_336 = arith.constant 0 : i32
    %dma_wait3A_337 = tpu.memref_slice %arg6[%dma_wait3A_335, %dma_wait3A_336] : memref<8x2048xf32, #tpu.memory_space<vmem>> -> memref<1x2048xf32, #tpu.memory_space<vmem>>
    %dma_wait3A_338 = tpu.memref_squeeze %dma_wait3A_337 : memref<1x2048xf32, #tpu.memory_space<vmem>> -> memref<2048xf32, #tpu.memory_space<vmem>>
    %dma_wait3A_339 = arith.constant 0 : i32
    %dma_wait3A_340 = tpu.memref_slice %arg2[%add3A_115, %dma_wait3A_334, %dma_wait3A_339] : memref<128x32x2048xf32, #tpu.memory_space<hbm>> -> memref<1x1x2048xf32, #tpu.memory_space<hbm>>
    %dma_wait3A_341 = tpu.memref_squeeze %dma_wait3A_340 : memref<1x1x2048xf32, #tpu.memory_space<hbm>> -> memref<2048xf32, #tpu.memory_space<hbm>>
    %dma_wait3A_342 = arith.constant 0 : i32
    %dma_wait3A_343 = tpu.memref_slice %arg6[%dma_wait3A_335, %dma_wait3A_342] : memref<8x2048xf32, #tpu.memory_space<vmem>> -> memref<1x2048xf32, #tpu.memory_space<vmem>>
    %dma_wait3A_344 = tpu.memref_squeeze %dma_wait3A_343 : memref<1x2048xf32, #tpu.memory_space<vmem>> -> memref<2048xf32, #tpu.memory_space<vmem>>
    %dma_wait3A_345 = arith.constant 0 : i32
    %dma_wait3A_346 = tpu.memref_slice %arg2[%add3A_115, %dma_wait3A_334, %dma_wait3A_345] : memref<128x32x2048xf32, #tpu.memory_space<hbm>> -> memref<1x1x2048xf32, #tpu.memory_space<hbm>>
    %dma_wait3A_347 = tpu.memref_squeeze %dma_wait3A_346 : memref<1x1x2048xf32, #tpu.memory_space<hbm>> -> memref<2048xf32, #tpu.memory_space<hbm>>
    tpu.wait_dma2 semaphore(%arg9 : memref<!tpu.dma_semaphore, #tpu.memory_space<semaphore_mem>>) src(%dma_wait3A_347 : memref<2048xf32, #tpu.memory_space<hbm>>) dst(%dma_wait3A_344 : memref<2048xf32, #tpu.memory_space<vmem>>)
    %add3A_348 = arith.constant 7 : i32
    %add3A_349 = arith.addi %mul3A_2, %add3A_348 : i32
    %dma_start3A_350 = arith.constant 7 : i32
    %dma_start3A_351 = arith.constant 0 : i32
    %dma_start3A_352 = tpu.memref_slice %arg6[%dma_start3A_350, %dma_start3A_351] : memref<8x2048xf32, #tpu.memory_space<vmem>> -> memref<1x2048xf32, #tpu.memory_space<vmem>>
    %dma_start3A_353 = tpu.memref_squeeze %dma_start3A_352 : memref<1x2048xf32, #tpu.memory_space<vmem>> -> memref<2048xf32, #tpu.memory_space<vmem>>
    %dma_start3A_354 = arith.constant 0 : i32
    %dma_start3A_355 = tpu.memref_slice %arg4[%add3A_349, %dma_start3A_354] : memref<128x2048xf32, #tpu.memory_space<hbm>> -> memref<1x2048xf32, #tpu.memory_space<hbm>>
    %dma_start3A_356 = tpu.memref_squeeze %dma_start3A_355 : memref<1x2048xf32, #tpu.memory_space<hbm>> -> memref<2048xf32, #tpu.memory_space<hbm>>
    %dma_start3A_357 = arith.constant 0 : i32
    %dma_start3A_358 = tpu.memref_slice %arg4[%add3A_349, %dma_start3A_357] : memref<128x2048xf32, #tpu.memory_space<hbm>> -> memref<1x2048xf32, #tpu.memory_space<hbm>>
    %dma_start3A_359 = tpu.memref_squeeze %dma_start3A_358 : memref<1x2048xf32, #tpu.memory_space<hbm>> -> memref<2048xf32, #tpu.memory_space<hbm>>
    %dma_start3A_360 = arith.constant 0 : i32
    %dma_start3A_361 = tpu.memref_slice %arg6[%dma_start3A_350, %dma_start3A_360] : memref<8x2048xf32, #tpu.memory_space<vmem>> -> memref<1x2048xf32, #tpu.memory_space<vmem>>
    %dma_start3A_362 = tpu.memref_squeeze %dma_start3A_361 : memref<1x2048xf32, #tpu.memory_space<vmem>> -> memref<2048xf32, #tpu.memory_space<vmem>>
    tpu.enqueue_dma source(%dma_start3A_362 : memref<2048xf32, #tpu.memory_space<vmem>>) target(%dma_start3A_359 : memref<2048xf32, #tpu.memory_space<hbm>>) target_semaphore(%arg11 : memref<!tpu.dma_semaphore, #tpu.memory_space<semaphore_mem>>)
    %dma_wait3A_363 = arith.constant 0 : i32
    %dma_wait3A_364 = arith.constant 0 : i32
    %dma_wait3A_365 = tpu.memref_slice %arg6[%dma_wait3A_363, %dma_wait3A_364] : memref<8x2048xf32, #tpu.memory_space<vmem>> -> memref<1x2048xf32, #tpu.memory_space<vmem>>
    %dma_wait3A_366 = tpu.memref_squeeze %dma_wait3A_365 : memref<1x2048xf32, #tpu.memory_space<vmem>> -> memref<2048xf32, #tpu.memory_space<vmem>>
    %dma_wait3A_367 = arith.constant 0 : i32
    %dma_wait3A_368 = tpu.memref_slice %arg4[%add3A_146, %dma_wait3A_367] : memref<128x2048xf32, #tpu.memory_space<hbm>> -> memref<1x2048xf32, #tpu.memory_space<hbm>>
    %dma_wait3A_369 = tpu.memref_squeeze %dma_wait3A_368 : memref<1x2048xf32, #tpu.memory_space<hbm>> -> memref<2048xf32, #tpu.memory_space<hbm>>
    %dma_wait3A_370 = arith.constant 0 : i32
    %dma_wait3A_371 = tpu.memref_slice %arg4[%add3A_146, %dma_wait3A_370] : memref<128x2048xf32, #tpu.memory_space<hbm>> -> memref<1x2048xf32, #tpu.memory_space<hbm>>
    %dma_wait3A_372 = tpu.memref_squeeze %dma_wait3A_371 : memref<1x2048xf32, #tpu.memory_space<hbm>> -> memref<2048xf32, #tpu.memory_space<hbm>>
    %dma_wait3A_373 = arith.constant 0 : i32
    %dma_wait3A_374 = tpu.memref_slice %arg6[%dma_wait3A_363, %dma_wait3A_373] : memref<8x2048xf32, #tpu.memory_space<vmem>> -> memref<1x2048xf32, #tpu.memory_space<vmem>>
    %dma_wait3A_375 = tpu.memref_squeeze %dma_wait3A_374 : memref<1x2048xf32, #tpu.memory_space<vmem>> -> memref<2048xf32, #tpu.memory_space<vmem>>
    tpu.wait_dma2 semaphore(%arg11 : memref<!tpu.dma_semaphore, #tpu.memory_space<semaphore_mem>>) src(%dma_wait3A_375 : memref<2048xf32, #tpu.memory_space<vmem>>) dst(%dma_wait3A_372 : memref<2048xf32, #tpu.memory_space<hbm>>)
    %dma_wait3A_376 = arith.constant 1 : i32
    %dma_wait3A_377 = arith.constant 0 : i32
    %dma_wait3A_378 = tpu.memref_slice %arg6[%dma_wait3A_376, %dma_wait3A_377] : memref<8x2048xf32, #tpu.memory_space<vmem>> -> memref<1x2048xf32, #tpu.memory_space<vmem>>
    %dma_wait3A_379 = tpu.memref_squeeze %dma_wait3A_378 : memref<1x2048xf32, #tpu.memory_space<vmem>> -> memref<2048xf32, #tpu.memory_space<vmem>>
    %dma_wait3A_380 = arith.constant 0 : i32
    %dma_wait3A_381 = tpu.memref_slice %arg4[%add3A_175, %dma_wait3A_380] : memref<128x2048xf32, #tpu.memory_space<hbm>> -> memref<1x2048xf32, #tpu.memory_space<hbm>>
    %dma_wait3A_382 = tpu.memref_squeeze %dma_wait3A_381 : memref<1x2048xf32, #tpu.memory_space<hbm>> -> memref<2048xf32, #tpu.memory_space<hbm>>
    %dma_wait3A_383 = arith.constant 0 : i32
    %dma_wait3A_384 = tpu.memref_slice %arg4[%add3A_175, %dma_wait3A_383] : memref<128x2048xf32, #tpu.memory_space<hbm>> -> memref<1x2048xf32, #tpu.memory_space<hbm>>
    %dma_wait3A_385 = tpu.memref_squeeze %dma_wait3A_384 : memref<1x2048xf32, #tpu.memory_space<hbm>> -> memref<2048xf32, #tpu.memory_space<hbm>>
    %dma_wait3A_386 = arith.constant 0 : i32
    %dma_wait3A_387 = tpu.memref_slice %arg6[%dma_wait3A_376, %dma_wait3A_386] : memref<8x2048xf32, #tpu.memory_space<vmem>> -> memref<1x2048xf32, #tpu.memory_space<vmem>>
    %dma_wait3A_388 = tpu.memref_squeeze %dma_wait3A_387 : memref<1x2048xf32, #tpu.memory_space<vmem>> -> memref<2048xf32, #tpu.memory_space<vmem>>
    tpu.wait_dma2 semaphore(%arg11 : memref<!tpu.dma_semaphore, #tpu.memory_space<semaphore_mem>>) src(%dma_wait3A_388 : memref<2048xf32, #tpu.memory_space<vmem>>) dst(%dma_wait3A_385 : memref<2048xf32, #tpu.memory_space<hbm>>)
    %dma_wait3A_389 = arith.constant 2 : i32
    %dma_wait3A_390 = arith.constant 0 : i32
    %dma_wait3A_391 = tpu.memref_slice %arg6[%dma_wait3A_389, %dma_wait3A_390] : memref<8x2048xf32, #tpu.memory_space<vmem>> -> memref<1x2048xf32, #tpu.memory_space<vmem>>
    %dma_wait3A_392 = tpu.memref_squeeze %dma_wait3A_391 : memref<1x2048xf32, #tpu.memory_space<vmem>> -> memref<2048xf32, #tpu.memory_space<vmem>>
    %dma_wait3A_393 = arith.constant 0 : i32
    %dma_wait3A_394 = tpu.memref_slice %arg4[%add3A_204, %dma_wait3A_393] : memref<128x2048xf32, #tpu.memory_space<hbm>> -> memref<1x2048xf32, #tpu.memory_space<hbm>>
    %dma_wait3A_395 = tpu.memref_squeeze %dma_wait3A_394 : memref<1x2048xf32, #tpu.memory_space<hbm>> -> memref<2048xf32, #tpu.memory_space<hbm>>
    %dma_wait3A_396 = arith.constant 0 : i32
    %dma_wait3A_397 = tpu.memref_slice %arg4[%add3A_204, %dma_wait3A_396] : memref<128x2048xf32, #tpu.memory_space<hbm>> -> memref<1x2048xf32, #tpu.memory_space<hbm>>
    %dma_wait3A_398 = tpu.memref_squeeze %dma_wait3A_397 : memref<1x2048xf32, #tpu.memory_space<hbm>> -> memref<2048xf32, #tpu.memory_space<hbm>>
    %dma_wait3A_399 = arith.constant 0 : i32
    %dma_wait3A_400 = tpu.memref_slice %arg6[%dma_wait3A_389, %dma_wait3A_399] : memref<8x2048xf32, #tpu.memory_space<vmem>> -> memref<1x2048xf32, #tpu.memory_space<vmem>>
    %dma_wait3A_401 = tpu.memref_squeeze %dma_wait3A_400 : memref<1x2048xf32, #tpu.memory_space<vmem>> -> memref<2048xf32, #tpu.memory_space<vmem>>
    tpu.wait_dma2 semaphore(%arg11 : memref<!tpu.dma_semaphore, #tpu.memory_space<semaphore_mem>>) src(%dma_wait3A_401 : memref<2048xf32, #tpu.memory_space<vmem>>) dst(%dma_wait3A_398 : memref<2048xf32, #tpu.memory_space<hbm>>)
    %dma_wait3A_402 = arith.constant 3 : i32
    %dma_wait3A_403 = arith.constant 0 : i32
    %dma_wait3A_404 = tpu.memref_slice %arg6[%dma_wait3A_402, %dma_wait3A_403] : memref<8x2048xf32, #tpu.memory_space<vmem>> -> memref<1x2048xf32, #tpu.memory_space<vmem>>
    %dma_wait3A_405 = tpu.memref_squeeze %dma_wait3A_404 : memref<1x2048xf32, #tpu.memory_space<vmem>> -> memref<2048xf32, #tpu.memory_space<vmem>>
    %dma_wait3A_406 = arith.constant 0 : i32
    %dma_wait3A_407 = tpu.memref_slice %arg4[%add3A_233, %dma_wait3A_406] : memref<128x2048xf32, #tpu.memory_space<hbm>> -> memref<1x2048xf32, #tpu.memory_space<hbm>>
    %dma_wait3A_408 = tpu.memref_squeeze %dma_wait3A_407 : memref<1x2048xf32, #tpu.memory_space<hbm>> -> memref<2048xf32, #tpu.memory_space<hbm>>
    %dma_wait3A_409 = arith.constant 0 : i32
    %dma_wait3A_410 = tpu.memref_slice %arg4[%add3A_233, %dma_wait3A_409] : memref<128x2048xf32, #tpu.memory_space<hbm>> -> memref<1x2048xf32, #tpu.memory_space<hbm>>
    %dma_wait3A_411 = tpu.memref_squeeze %dma_wait3A_410 : memref<1x2048xf32, #tpu.memory_space<hbm>> -> memref<2048xf32, #tpu.memory_space<hbm>>
    %dma_wait3A_412 = arith.constant 0 : i32
    %dma_wait3A_413 = tpu.memref_slice %arg6[%dma_wait3A_402, %dma_wait3A_412] : memref<8x2048xf32, #tpu.memory_space<vmem>> -> memref<1x2048xf32, #tpu.memory_space<vmem>>
    %dma_wait3A_414 = tpu.memref_squeeze %dma_wait3A_413 : memref<1x2048xf32, #tpu.memory_space<vmem>> -> memref<2048xf32, #tpu.memory_space<vmem>>
    tpu.wait_dma2 semaphore(%arg11 : memref<!tpu.dma_semaphore, #tpu.memory_space<semaphore_mem>>) src(%dma_wait3A_414 : memref<2048xf32, #tpu.memory_space<vmem>>) dst(%dma_wait3A_411 : memref<2048xf32, #tpu.memory_space<hbm>>)
    %dma_wait3A_415 = arith.constant 4 : i32
    %dma_wait3A_416 = arith.constant 0 : i32
    %dma_wait3A_417 = tpu.memref_slice %arg6[%dma_wait3A_415, %dma_wait3A_416] : memref<8x2048xf32, #tpu.memory_space<vmem>> -> memref<1x2048xf32, #tpu.memory_space<vmem>>
    %dma_wait3A_418 = tpu.memref_squeeze %dma_wait3A_417 : memref<1x2048xf32, #tpu.memory_space<vmem>> -> memref<2048xf32, #tpu.memory_space<vmem>>
    %dma_wait3A_419 = arith.constant 0 : i32
    %dma_wait3A_420 = tpu.memref_slice %arg4[%add3A_262, %dma_wait3A_419] : memref<128x2048xf32, #tpu.memory_space<hbm>> -> memref<1x2048xf32, #tpu.memory_space<hbm>>
    %dma_wait3A_421 = tpu.memref_squeeze %dma_wait3A_420 : memref<1x2048xf32, #tpu.memory_space<hbm>> -> memref<2048xf32, #tpu.memory_space<hbm>>
    %dma_wait3A_422 = arith.constant 0 : i32
    %dma_wait3A_423 = tpu.memref_slice %arg4[%add3A_262, %dma_wait3A_422] : memref<128x2048xf32, #tpu.memory_space<hbm>> -> memref<1x2048xf32, #tpu.memory_space<hbm>>
    %dma_wait3A_424 = tpu.memref_squeeze %dma_wait3A_423 : memref<1x2048xf32, #tpu.memory_space<hbm>> -> memref<2048xf32, #tpu.memory_space<hbm>>
    %dma_wait3A_425 = arith.constant 0 : i32
    %dma_wait3A_426 = tpu.memref_slice %arg6[%dma_wait3A_415, %dma_wait3A_425] : memref<8x2048xf32, #tpu.memory_space<vmem>> -> memref<1x2048xf32, #tpu.memory_space<vmem>>
    %dma_wait3A_427 = tpu.memref_squeeze %dma_wait3A_426 : memref<1x2048xf32, #tpu.memory_space<vmem>> -> memref<2048xf32, #tpu.memory_space<vmem>>
    tpu.wait_dma2 semaphore(%arg11 : memref<!tpu.dma_semaphore, #tpu.memory_space<semaphore_mem>>) src(%dma_wait3A_427 : memref<2048xf32, #tpu.memory_space<vmem>>) dst(%dma_wait3A_424 : memref<2048xf32, #tpu.memory_space<hbm>>)
    %dma_wait3A_428 = arith.constant 5 : i32
    %dma_wait3A_429 = arith.constant 0 : i32
    %dma_wait3A_430 = tpu.memref_slice %arg6[%dma_wait3A_428, %dma_wait3A_429] : memref<8x2048xf32, #tpu.memory_space<vmem>> -> memref<1x2048xf32, #tpu.memory_space<vmem>>
    %dma_wait3A_431 = tpu.memref_squeeze %dma_wait3A_430 : memref<1x2048xf32, #tpu.memory_space<vmem>> -> memref<2048xf32, #tpu.memory_space<vmem>>
    %dma_wait3A_432 = arith.constant 0 : i32
    %dma_wait3A_433 = tpu.memref_slice %arg4[%add3A_291, %dma_wait3A_432] : memref<128x2048xf32, #tpu.memory_space<hbm>> -> memref<1x2048xf32, #tpu.memory_space<hbm>>
    %dma_wait3A_434 = tpu.memref_squeeze %dma_wait3A_433 : memref<1x2048xf32, #tpu.memory_space<hbm>> -> memref<2048xf32, #tpu.memory_space<hbm>>
    %dma_wait3A_435 = arith.constant 0 : i32
    %dma_wait3A_436 = tpu.memref_slice %arg4[%add3A_291, %dma_wait3A_435] : memref<128x2048xf32, #tpu.memory_space<hbm>> -> memref<1x2048xf32, #tpu.memory_space<hbm>>
    %dma_wait3A_437 = tpu.memref_squeeze %dma_wait3A_436 : memref<1x2048xf32, #tpu.memory_space<hbm>> -> memref<2048xf32, #tpu.memory_space<hbm>>
    %dma_wait3A_438 = arith.constant 0 : i32
    %dma_wait3A_439 = tpu.memref_slice %arg6[%dma_wait3A_428, %dma_wait3A_438] : memref<8x2048xf32, #tpu.memory_space<vmem>> -> memref<1x2048xf32, #tpu.memory_space<vmem>>
    %dma_wait3A_440 = tpu.memref_squeeze %dma_wait3A_439 : memref<1x2048xf32, #tpu.memory_space<vmem>> -> memref<2048xf32, #tpu.memory_space<vmem>>
    tpu.wait_dma2 semaphore(%arg11 : memref<!tpu.dma_semaphore, #tpu.memory_space<semaphore_mem>>) src(%dma_wait3A_440 : memref<2048xf32, #tpu.memory_space<vmem>>) dst(%dma_wait3A_437 : memref<2048xf32, #tpu.memory_space<hbm>>)
    %dma_wait3A_441 = arith.constant 6 : i32
    %dma_wait3A_442 = arith.constant 0 : i32
    %dma_wait3A_443 = tpu.memref_slice %arg6[%dma_wait3A_441, %dma_wait3A_442] : memref<8x2048xf32, #tpu.memory_space<vmem>> -> memref<1x2048xf32, #tpu.memory_space<vmem>>
    %dma_wait3A_444 = tpu.memref_squeeze %dma_wait3A_443 : memref<1x2048xf32, #tpu.memory_space<vmem>> -> memref<2048xf32, #tpu.memory_space<vmem>>
    %dma_wait3A_445 = arith.constant 0 : i32
    %dma_wait3A_446 = tpu.memref_slice %arg4[%add3A_320, %dma_wait3A_445] : memref<128x2048xf32, #tpu.memory_space<hbm>> -> memref<1x2048xf32, #tpu.memory_space<hbm>>
    %dma_wait3A_447 = tpu.memref_squeeze %dma_wait3A_446 : memref<1x2048xf32, #tpu.memory_space<hbm>> -> memref<2048xf32, #tpu.memory_space<hbm>>
    %dma_wait3A_448 = arith.constant 0 : i32
    %dma_wait3A_449 = tpu.memref_slice %arg4[%add3A_320, %dma_wait3A_448] : memref<128x2048xf32, #tpu.memory_space<hbm>> -> memref<1x2048xf32, #tpu.memory_space<hbm>>
    %dma_wait3A_450 = tpu.memref_squeeze %dma_wait3A_449 : memref<1x2048xf32, #tpu.memory_space<hbm>> -> memref<2048xf32, #tpu.memory_space<hbm>>
    %dma_wait3A_451 = arith.constant 0 : i32
    %dma_wait3A_452 = tpu.memref_slice %arg6[%dma_wait3A_441, %dma_wait3A_451] : memref<8x2048xf32, #tpu.memory_space<vmem>> -> memref<1x2048xf32, #tpu.memory_space<vmem>>
    %dma_wait3A_453 = tpu.memref_squeeze %dma_wait3A_452 : memref<1x2048xf32, #tpu.memory_space<vmem>> -> memref<2048xf32, #tpu.memory_space<vmem>>
    tpu.wait_dma2 semaphore(%arg11 : memref<!tpu.dma_semaphore, #tpu.memory_space<semaphore_mem>>) src(%dma_wait3A_453 : memref<2048xf32, #tpu.memory_space<vmem>>) dst(%dma_wait3A_450 : memref<2048xf32, #tpu.memory_space<hbm>>)
    %dma_wait3A_454 = arith.constant 7 : i32
    %dma_wait3A_455 = arith.constant 0 : i32
    %dma_wait3A_456 = tpu.memref_slice %arg6[%dma_wait3A_454, %dma_wait3A_455] : memref<8x2048xf32, #tpu.memory_space<vmem>> -> memref<1x2048xf32, #tpu.memory_space<vmem>>
    %dma_wait3A_457 = tpu.memref_squeeze %dma_wait3A_456 : memref<1x2048xf32, #tpu.memory_space<vmem>> -> memref<2048xf32, #tpu.memory_space<vmem>>
    %dma_wait3A_458 = arith.constant 0 : i32
    %dma_wait3A_459 = tpu.memref_slice %arg4[%add3A_349, %dma_wait3A_458] : memref<128x2048xf32, #tpu.memory_space<hbm>> -> memref<1x2048xf32, #tpu.memory_space<hbm>>
    %dma_wait3A_460 = tpu.memref_squeeze %dma_wait3A_459 : memref<1x2048xf32, #tpu.memory_space<hbm>> -> memref<2048xf32, #tpu.memory_space<hbm>>
    %dma_wait3A_461 = arith.constant 0 : i32
    %dma_wait3A_462 = tpu.memref_slice %arg4[%add3A_349, %dma_wait3A_461] : memref<128x2048xf32, #tpu.memory_space<hbm>> -> memref<1x2048xf32, #tpu.memory_space<hbm>>
    %dma_wait3A_463 = tpu.memref_squeeze %dma_wait3A_462 : memref<1x2048xf32, #tpu.memory_space<hbm>> -> memref<2048xf32, #tpu.memory_space<hbm>>
    %dma_wait3A_464 = arith.constant 0 : i32
    %dma_wait3A_465 = tpu.memref_slice %arg6[%dma_wait3A_454, %dma_wait3A_464] : memref<8x2048xf32, #tpu.memory_space<vmem>> -> memref<1x2048xf32, #tpu.memory_space<vmem>>
    %dma_wait3A_466 = tpu.memref_squeeze %dma_wait3A_465 : memref<1x2048xf32, #tpu.memory_space<vmem>> -> memref<2048xf32, #tpu.memory_space<vmem>>
    tpu.wait_dma2 semaphore(%arg11 : memref<!tpu.dma_semaphore, #tpu.memory_space<semaphore_mem>>) src(%dma_wait3A_466 : memref<2048xf32, #tpu.memory_space<vmem>>) dst(%dma_wait3A_463 : memref<2048xf32, #tpu.memory_space<hbm>>)
    return
  }
}

</mosaic_0001>

<sc_bundles>
// kernel: kernel.3.cloned.1.call-start
scs
__scs_entry_jumppad:
0x0: {  	(pc) =	sbr.rel $0x88, $3  }
0x1: {  	(tag) =	ssettag $0x0;
	lr =	simm.s32 $0x1  }
0x2: {  	[smem:$0x3F9E] =	sst lr;
	_ =	strace $0xD0000000  }
0x3: {  	_ = 	snop  }
0x4: {  	_ = 	snop  }
0x5: {  	_ = 	snop  }
0x6: {  	_ = 	snop  }
0x7: {  	_ = 	snop  }
__scs_overlays_trampoline_lowered:
0x8: {  	[smem:$0x3FAD] =	sst s0  }
0x9: {  	[smem:$0x3FAE] =	sst s1  }
0xa: {  	[smem:$0x3FAF] =	sst s2  }
0xb: {  	[smem:$0x3FB0] =	sst s3  }
0xc: {  	[smem:$0x3FB1] =	sst s4  }
0xd: {  	[smem:$0x3FB2] =	sst s5  }
0xe: {  	[smem:$0x3FB3] =	sst s6  }
0xf: {  	[smem:$0x3FB4] =	sst s7  }
0x10: {  	[smem:$0x3FB5] =	sst s8  }
0x11: {  	[smem:$0x3FB6] =	sst s9;
	s0 =	simm.s32 @!p0 $0x0  }
0x12: {  	s1 =	sld [smem:$0x3F9C];
	s0 =	simm.s32 @p0 $0x1  }
0x13: {  	[smem:$0x3FB7] =	sst s0;
	s0 =	simm.s32 @!p1 $0x0  }
0x14: {  	s2 =	sld [smem:$0x3F9B];
	s0 =	simm.s32 @p1 $0x1  }
0x15: {  	[smem:$0x3FB8] =	sst s0;
	s0 =	simm.s32 @!p2 $0x0  }
0x16: {  	s3 =	sld [smem:$0x3FDB];
	s0 =	simm.s32 @p2 $0x1  }
0x17: {  	s4 =	simm.s32 $0x1BF5;
	[smem:$0x3FBA] =	sst s0  }
0x18: {  	s0 =	sld [smem:$0x3F9D];
	_ =	swait.ge [sflag:s4], $0x0  }
0x19: {  	s7 =	sld [smem:$0x3F9E]  }
0x1a: {  	s8 =	sadd.s32 $0xFFFFE003, lr  }
0x1b: {  	s9 =	sadd.s32 $0xFFFFFEF7, lr;
	s5 =	simm.s32 $0xFFFFFFFF;
	p2 =	slt.u32 s8, $0xFFFFF086  }
0x1c: {  	p1 =	slt.u32 s9, $0xF7A;
	s5 =	simm.s32 @!p2 $0x0  }
0x1d: {  	s5 =	simm.s32 @p1 $0x1;
	p0 =	seq.s32 s7, s2  }
0x1e: {  	s7 =	smul.u32 @!p0 $0xF7A, s2;
	p2 =	seq.s32 @!p0 s5, $0x0  }
0x1f: {  	s9 =	smul.u32 $0xF7A, s1;
	s8 =	simm.s32 @!p0 $0x1BF5;
	p2 =	por !p2, p0  }
0x20: {  	[sflag:s8] =	ssyncset.s32 @!p0 $0xFFFFF086;
	s6 =	sadd.s32 @!p0 s3, s7;
	s7 =	simm.s32 @!p0 $0x108  }
0x21: {  	s3 =	sadd.s32 s3, s9;
	s6 =	sadd.s32 @!p0 $0x88, s6;
	s7 =	simm.s32 @p2 $0x1082  }
0x22: {  	[simem:s7], [sflag:s8] =	dma.local @!p0 [hbm:s6], $0xF7A  }
0x23: {  	s9 =	sor.u32 $0xD0000000, s2;
	s6 =	simm.s32 $0x108;
	_ =	swait.ge @!p0 [sflag:s8], $0x0  }
0x24: {  	s3 =	sadd.s32 $0x88, s3;
	s6 =	simm.s32 @!p1 $0x1082;
	[sflag:s4] =	ssyncset.s32 $0xFFFFF086  }
0x25: {  	[simem:s6], [sflag:s4] =	dma.local [hbm:s3], $0xF7A  }
0x26: {  	[smem:$0x3F9E] =	sst s1;
	(tag) =	ssettag s2;
	_ =	strace s9  }
0x27: {  	s1 =	sld [smem:$0x3FAE]  }
0x28: {  	s2 =	sld [smem:$0x3FAF]  }
0x29: {  	s4 =	sld [smem:$0x3FB1]  }
0x2a: {  	p0 =	seq.s32 s5, $0x0;
	s5 =	sld [smem:$0x3FB2]  }
0x2b: {  	s6 =	sld [smem:$0x3FB3]  }
0x2c: {  	s7 =	sld [smem:$0x3FB4]  }
0x2d: {  	s3 =	simm.s32 $0x108;
	s8 =	sld [smem:$0x3FB5]  }
0x2e: {  	s3 =	simm.s32 @!p0 $0x1082;
	s9 =	sld [smem:$0x3FB6]  }
0x2f: {  	lr =	sadd.s32 s0, s3;
	s0 =	sld [smem:$0x3FAD]  }
0x30: {  	s3 =	sld [smem:$0x3FB0]  }
0x31: {  	[smem:$0x3FB9] =	sst s10  }
0x32: {  	s10 =	sld [smem:$0x3FB7];
	_ =	sdelay $0x3  }
0x33: {  	p0 =	seq.s32 s10, $0x1;
	s10 =	sld [smem:$0x3FB9];
	_ =	sdelay $0x3  }
0x34: {  	[smem:$0x3FB9] =	sst s10  }
0x35: {  	s10 =	sld [smem:$0x3FB8];
	_ =	sdelay $0x3  }
0x36: {  	p1 =	seq.s32 s10, $0x1;
	s10 =	sld [smem:$0x3FB9];
	_ =	sdelay $0x3  }
0x37: {  	[smem:$0x3FB9] =	sst s10  }
0x38: {  	s10 =	sld [smem:$0x3FBA]  }
0x39: {  	_ = 	snop;
	(pc) =	sbr.ind lr, $3  }
0x3a: {  	_ = 	snop  }
0x3b: {  	_ = 	snop  }
0x3c: {  	p2 =	seq.s32 s10, $0x1;
	s10 =	sld [smem:$0x3FB9]  }
0x3d: {  	_ =	shalt  }
0x3e: {  	_ =	shalt  }
0x3f: {  	_ =	shalt  }
0x40: {  	_ =	shalt  }
0x41: {  	_ =	shalt  }
0x42: {  	_ =	shalt  }
0x43: {  	_ =	shalt  }
0x44: {  	_ =	shalt  }
0x45: {  	_ =	shalt  }
0x46: {  	_ =	shalt  }
0x47: {  	_ =	shalt  }
0x48: {  	_ =	shalt  }
0x49: {  	_ =	shalt  }
0x4a: {  	_ =	shalt  }
0x4b: {  	_ =	shalt  }
0x4c: {  	_ =	shalt  }
0x4d: {  	_ =	shalt  }
0x4e: {  	_ =	shalt  }
0x4f: {  	_ =	shalt  }
0x50: {  	_ =	shalt  }
0x51: {  	_ =	shalt  }
0x52: {  	_ =	shalt  }
0x53: {  	_ =	shalt  }
0x54: {  	_ =	shalt  }
0x55: {  	_ =	shalt  }
0x56: {  	_ =	shalt  }
0x57: {  	_ =	shalt  }
0x58: {  	_ =	shalt  }
0x59: {  	_ =	shalt  }
0x5a: {  	_ =	shalt  }
0x5b: {  	_ =	shalt  }
0x5c: {  	_ =	shalt  }
0x5d: {  	_ =	shalt  }
0x5e: {  	_ =	shalt  }
0x5f: {  	_ =	shalt  }
0x60: {  	_ =	shalt  }
0x61: {  	_ =	shalt  }
0x62: {  	_ =	shalt  }
0x63: {  	_ =	shalt  }
0x64: {  	_ =	shalt  }
0x65: {  	_ =	shalt  }
0x66: {  	_ =	shalt  }
0x67: {  	_ =	shalt  }
0x68: {  	_ =	shalt  }
0x69: {  	_ =	shalt  }
0x6a: {  	_ =	shalt  }
0x6b: {  	_ =	shalt  }
0x6c: {  	_ =	shalt  }
0x6d: {  	_ =	shalt  }
0x6e: {  	_ =	shalt  }
0x6f: {  	_ =	shalt  }
0x70: {  	_ =	shalt  }
0x71: {  	_ =	shalt  }
0x72: {  	_ =	shalt  }
0x73: {  	_ =	shalt  }
0x74: {  	_ =	shalt  }
0x75: {  	_ =	shalt  }
0x76: {  	_ =	shalt  }
0x77: {  	_ =	shalt  }
0x78: {  	_ =	shalt  }
0x79: {  	_ =	shalt  }
0x7a: {  	_ =	shalt  }
0x7b: {  	_ =	shalt  }
0x7c: {  	_ =	shalt  }
0x7d: {  	_ =	shalt  }
0x7e: {  	_ =	shalt  }
0x7f: {  	_ =	shalt  }
0x80: {  	_ =	shalt  }
0x81: {  	_ =	shalt  }
0x82: {  	_ =	shalt  }
0x83: {  	_ =	shalt  }
0x84: {  	_ =	shalt  }
0x85: {  	_ =	shalt  }
0x86: {  	_ =	shalt  }
0x87: {  	_ =	shalt  }
.Lfunc_end0:
.L_simem_size_0:
called_computation_lowered:
.L_overlay_start_0:
0x88: {  	s0 =	sld [smem:$0x3FD9]  }
0x89: {  	s1 =	sld [smem:$0x3FFE];
	_ =	sdelay $0x3  }
0x8a: {  	s0 =	sadd.s32 s1, s0  }
0x8b: {  	[smem:$0x3FC5] =	sst s0  }
0x8c: {  	_ = 	snop  }
0x8d: {  	s0 =	sld [smem:$0x3FD0];
	_ =	sdelay $0x2  }
0x8e: {  	s2 =	simm.s32 $0xA;
	s3 =	simm.s32 $0x10;
	s14 =	sld [smem:$0x3FC9]  }
0x8f: {  	[smem:s3], [sflag:s2] =	dma.local [hbm:s0], $0x1  }
0x90: {  	_ =	swait.eq [sflag:s2], $0x1  }
0x91: {  	s15 =	sld [smem:$0x10];
	[sflag:s2] =	ssyncset.done $0x0  }
0x92: {  	s16 =	sld [smem:$0x11];
	[sflag:s2] =	ssyncadd.s32 $0xFFFFFFFF  }
0x93: {  	s17 =	sld [smem:$0x12];
	(tm) =	ssettm $0x1  }
0x94: {  	s4 =	sld [smem:$0x3FFB];
	_ =	sdelay $0x3  }
0x95: {  	_ =	strace s4  }
0x96: {  	s4 =	sld [smem:$0x3FFC];
	_ =	sdelay $0x3  }
0x97: {  	_ =	strace s4  }
0x98: {  	s4 =	sld [smem:$0x3FFD];
	_ =	sdelay $0x3  }
0x99: {  	_ =	strace s4  }
0x9a: {  	_ =	strace $0x8FFFFFFF  }
0x9b: {  	s18 =	sld [smem:$0x3FDB];
	_ =	sdelay $0x1  }
0x9c: {  	s5 =	simm.s32 $_scs_section_size  }
0x9d: {  	s6 =	simm.s32 $_size__tile_overlayer_lowered;
	s7 =	simm.s32 $_tile_overlayer_lowered  }
0x9e: {  	s21 =	simm.s32 $0x1BFF;
	s20 =	sshll.u32 s7, $0x1;
	s4 =	sadd.s32 s5, s18  }
0x9f: {  	s8 =	simm.s32 $0x0;
	s19 =	sshll.u32 s6, $0x1;
	s6 =	sadd.s32 s20, s4  }
0xa0: {  	[timem:s8], [sflag:s21] =	dma.local [hbm:s6], s19  }
0xa1: {  	_ =	swait.ge [sflag:s21], s19  }
0xa2: {  	s5 =	ssub.s32 $0x0, s19;
	[sflag:s21] =	ssyncset.done $0x0  }
0xa3: {  	[sflag:s21] =	ssyncadd.s32 s5;
	_ =	sdelay $0x1  }
0xa4: {  	s22 =	simm.s32 $0x1B8B  }
0xa5: {  	_ =	swait.ge [sflag:s22], $0x1  }
0xa6: {  	[sflag:s22] =	ssyncset.done $0x0  }
0xa7: {  	s23 =	simm.s32 $0x1B8E;
	[sflag:s22] =	ssyncadd.s32 $0xFFFFFFFF  }
0xa8: {  	s24 =	simm.s32 $execute0_lowered;
	[smem:$0x3FD2] =	sst s23  }
0xa9: {  	s5 =	sshll.u32 s24, $0x1;
	_ =	strace $0x80000046;
	[dreg:$0x1] =	wrdreg $0xFFFFFFFF  }
0xaa: {  	s25 =	simm.s32 $_size_execute0_lowered;
	s4 =	sadd.s32 s4, s5;
	[dreg:$0x0] =	wrdreg $0x0  }
0xab: {  	s5 =	sshll.u32 s25, $0x1;
	[dreg:$0x2] =	wrdreg s4  }
0xac: {  	[dreg:$0x3] =	wrdreg s5  }
0xad: {  	[dreg:$0x4] =	wrdreg $0xC0  }
0xae: {  	_ =	task [dreg:s8], $0x5FFFF  }
0xaf: {  	[dreg:$0x1] =	wrdreg $0xFFFFFFFF  }
0xb0: {  	[dreg:$0x0] =	wrdreg $0x60  }
0xb1: {  	[dreg:$0x2] =	wrdreg s14  }
0xb2: {  	[dreg:$0x3] =	wrdreg s17  }
0xb3: {  	[dreg:$0x4] =	wrdreg s15  }
0xb4: {  	[dreg:$0x5] =	wrdreg s16  }
0xb5: {  	[dreg:$0x6] =	wrdreg $0x9  }
0xb6: {  	_ =	task.clear_ibuf [dreg:s8], $0x7FFFF;
	_ =	strace $0x90000046  }
0xb7: {  	s26 =	simm.s32 $0x9;
	_ =	strace $0x80000048  }
0xb8: {  	_ =	swait.ge [sflag:s26], $0x1  }
0xb9: {  	[sflag:s26] =	ssyncadd.s32 $0xFFFFFFFF  }
0xba: {  	_ =	strace $0x90000048  }
0xbb: {  	_ =	sfence  }
0xbc: {  	s28 =	sld [smem:$0x0];
	_ =	sdelay $0x1  }
0xbd: {  	s29 =	srdreg.scid  }
0xbe: {  	s30 =	sshll.u32 s29, $0xD;
	s31 =	sshrl.u32 s29, $0x2  }
0xbf: {  	s1 =	sand.u32 $0x1, s29;
	s2 =	sand.u32 $0x4000, s30;
	s0 =	sadd.s32 s31, s28  }
0xc0: {  	s1 =	sor.u32 s2, s1;
	s0 =	sshll.u32 s0, $0x11  }
0xc1: {  	s0 =	sor.u32 s0, s1  }
0xc2: {  	s0 =	sadd.s32 $0x8F2B, s0  }
0xc3: {  	[sflag:s0] =	ssyncadd.remote.s32 $0x1  }
0xc4: {  	_ =	sfence.sel $0xFFFF  }
0xc5: {  	[dreg:$0x0] =	wrdreg $0xFFFFFFFF;
	(pc) =	sbr.abs _section_cstart, $3  }
0xc6: {  	[dreg:$0x1] =	wrdreg $0xFFFFFFFF  }
0xc7: {  	_ =	task.clear_ibuf [dreg:s8], $0x2FFFF;
	_ =	strace $0x9FFFFFFF  }
0xc8: {  	(tm) =	ssettm $0x7FFFFFFF  }
0xc9: {  	_ =	shalt  }
tec
execute0_lowered:
.L_overlay_start_1:
0x0: {  	(tag) =	ssettag $0x1  }
0x1: {  	s0 =	rddreg [dreg:$0x0];
	s1 =	simm.s32 $0x0;
	s4 =	stileid.u32  }
0x2: {  	[smem:$0x7FF] =	sst s1;
	s2 =	sshll.u32 s4, $0x10  }
0x3: {  	_ =	strace $0x80000047;
	s0 =	sadd.s32 s0, s2  }
0x4: {  	[tilespmem:s1], [sflag:$0x1] =	stream.linear.gather [hbm4b:s0+s1], $0x80, $0x38;
	[tilespmem:$0x4100] =	vst v63  }
0x5: {  	s3 =	simm.s32 $0x400;
	s2 =	sadd.s32 $0x80, s0  }
0x6: {  	[tilespmem:s3], [sflag:$0x1] =	stream.linear.gather [hbm4b:s2+s1], $0x80, $0x38;
	[tilespmem:$0x4100] =	vst v63  }
0x7: {  	s16 =	simm.s32 $0x800;
	s15 =	sadd.s32 $0x100, s0  }
0x8: {  	[tilespmem:s16], [sflag:$0x1] =	stream.linear.gather [hbm4b:s15+s1], $0x80, $0x38;
	[tilespmem:$0x4100] =	vst v63  }
0x9: {  	s18 =	simm.s32 $0xC00;
	s17 =	sadd.s32 $0x180, s0  }
0xa: {  	[tilespmem:s18], [sflag:$0x1] =	stream.linear.gather [hbm4b:s17+s1], $0x80, $0x38;
	[tilespmem:$0x4100] =	vst v63  }
0xb: {  	s20 =	simm.s32 $0x1000;
	s19 =	sadd.s32 $0x200, s0  }
0xc: {  	[tilespmem:s20], [sflag:$0x1] =	stream.linear.gather [hbm4b:s19+s1], $0x80, $0x38;
	[tilespmem:$0x4100] =	vst v63  }
0xd: {  	s22 =	simm.s32 $0x1400;
	s21 =	sadd.s32 $0x280, s0  }
0xe: {  	[tilespmem:s22], [sflag:$0x1] =	stream.linear.gather [hbm4b:s21+s1], $0x80, $0x38;
	[tilespmem:$0x4100] =	vst v63  }
0xf: {  	s24 =	simm.s32 $0x1800;
	s23 =	sadd.s32 $0x300, s0  }
0x10: {  	[tilespmem:s24], [sflag:$0x1] =	stream.linear.gather [hbm4b:s23+s1], $0x80, $0x38;
	[tilespmem:$0x4100] =	vst v63  }
0x11: {  	s26 =	simm.s32 $0x1C00;
	s25 =	sadd.s32 $0x380, s0  }
0x12: {  	[tilespmem:s26], [sflag:$0x1] =	stream.linear.gather [hbm4b:s25+s1], $0x80, $0x38;
	[tilespmem:$0x4100] =	vst v63  }
0x13: {  	s29 =	simm.s32 $0x2000;
	s28 =	sadd.s32 $0x400, s0  }
0x14: {  	[tilespmem:s29], [sflag:$0x1] =	stream.linear.gather [hbm4b:s28+s1], $0x80, $0x38;
	[tilespmem:$0x4100] =	vst v63  }
0x15: {  	s31 =	simm.s32 $0x2400;
	s30 =	sadd.s32 $0x480, s0  }
0x16: {  	[tilespmem:s31], [sflag:$0x1] =	stream.linear.gather [hbm4b:s30+s1], $0x80, $0x38;
	[tilespmem:$0x4100] =	vst v63  }
0x17: {  	s6 =	simm.s32 $0x2800;
	s5 =	sadd.s32 $0x500, s0  }
0x18: {  	[tilespmem:s6], [sflag:$0x1] =	stream.linear.gather [hbm4b:s5+s1], $0x80, $0x38;
	[tilespmem:$0x4100] =	vst v63  }
0x19: {  	s8 =	simm.s32 $0x2C00;
	s7 =	sadd.s32 $0x580, s0  }
0x1a: {  	[tilespmem:s8], [sflag:$0x1] =	stream.linear.gather [hbm4b:s7+s1], $0x80, $0x38;
	[tilespmem:$0x4100] =	vst v63  }
0x1b: {  	s10 =	simm.s32 $0x3000;
	s9 =	sadd.s32 $0x600, s0  }
0x1c: {  	[tilespmem:s10], [sflag:$0x1] =	stream.linear.gather [hbm4b:s9+s1], $0x80, $0x38;
	[tilespmem:$0x4100] =	vst v63  }
0x1d: {  	s12 =	simm.s32 $0x3400;
	s11 =	sadd.s32 $0x680, s0  }
0x1e: {  	[tilespmem:s12], [sflag:$0x1] =	stream.linear.gather [hbm4b:s11+s1], $0x80, $0x38;
	[tilespmem:$0x4100] =	vst v63  }
0x1f: {  	s14 =	simm.s32 $0x3800;
	s13 =	sadd.s32 $0x700, s0  }
0x20: {  	[tilespmem:s14], [sflag:$0x1] =	stream.linear.gather [hbm4b:s13+s1], $0x80, $0x38;
	[tilespmem:$0x4100] =	vst v63  }
0x21: {  	s15 =	sadd.s32 $0x780, s0;
	s16 =	simm.s32 $0x3C00  }
0x22: {  	[tilespmem:s16], [sflag:$0x1] =	stream.linear.gather [hbm4b:s15+s1], $0x80, $0x38;
	[tilespmem:$0x4100] =	vst v63  }
0x23: {  	s17 =	sadd.s32 $0x2000, s0;
	s18 =	simm.s32 $0x80  }
0x24: {  	[tilespmem:s18], [sflag:$0x1] =	stream.linear.gather [hbm4b:s17+s1], $0x80, $0x38;
	[tilespmem:$0x4100] =	vst v63  }
0x25: {  	s19 =	sadd.s32 $0x2080, s0;
	s20 =	simm.s32 $0x480  }
0x26: {  	[tilespmem:s20], [sflag:$0x1] =	stream.linear.gather [hbm4b:s19+s1], $0x80, $0x38;
	[tilespmem:$0x4100] =	vst v63  }
0x27: {  	s21 =	sadd.s32 $0x2100, s0;
	s22 =	simm.s32 $0x880  }
0x28: {  	[tilespmem:s22], [sflag:$0x1] =	stream.linear.gather [hbm4b:s21+s1], $0x80, $0x38;
	[tilespmem:$0x4100] =	vst v63  }
0x29: {  	s23 =	sadd.s32 $0x2180, s0;
	s24 =	simm.s32 $0xC80  }
0x2a: {  	[tilespmem:s24], [sflag:$0x1] =	stream.linear.gather [hbm4b:s23+s1], $0x80, $0x38;
	[tilespmem:$0x4100] =	vst v63  }
0x2b: {  	s25 =	sadd.s32 $0x2200, s0;
	s26 =	simm.s32 $0x1080  }
0x2c: {  	[tilespmem:s26], [sflag:$0x1] =	stream.linear.gather [hbm4b:s25+s1], $0x80, $0x38;
	[tilespmem:$0x4100] =	vst v63  }
0x2d: {  	s28 =	sadd.s32 $0x2280, s0;
	s29 =	simm.s32 $0x1480  }
0x2e: {  	[tilespmem:s29], [sflag:$0x1] =	stream.linear.gather [hbm4b:s28+s1], $0x80, $0x38;
	[tilespmem:$0x4100] =	vst v63  }
0x2f: {  	s30 =	sadd.s32 $0x2300, s0;
	s31 =	simm.s32 $0x1880  }
0x30: {  	[tilespmem:s31], [sflag:$0x1] =	stream.linear.gather [hbm4b:s30+s1], $0x80, $0x38;
	[tilespmem:$0x4100] =	vst v63  }
0x31: {  	s5 =	sadd.s32 $0x2380, s0;
	s6 =	simm.s32 $0x1C80  }
0x32: {  	[tilespmem:s6], [sflag:$0x1] =	stream.linear.gather [hbm4b:s5+s1], $0x80, $0x38;
	[tilespmem:$0x4100] =	vst v63  }
0x33: {  	s7 =	sadd.s32 $0x2400, s0;
	s8 =	simm.s32 $0x2080  }
0x34: {  	[tilespmem:s8], [sflag:$0x1] =	stream.linear.gather [hbm4b:s7+s1], $0x80, $0x38;
	[tilespmem:$0x4100] =	vst v63  }
0x35: {  	s9 =	sadd.s32 $0x2480, s0;
	s10 =	simm.s32 $0x2480  }
0x36: {  	[tilespmem:s10], [sflag:$0x1] =	stream.linear.gather [hbm4b:s9+s1], $0x80, $0x38;
	[tilespmem:$0x4100] =	vst v63  }
0x37: {  	s11 =	sadd.s32 $0x2500, s0;
	s12 =	simm.s32 $0x2880  }
0x38: {  	[tilespmem:s12], [sflag:$0x1] =	stream.linear.gather [hbm4b:s11+s1], $0x80, $0x38;
	[tilespmem:$0x4100] =	vst v63  }
0x39: {  	s13 =	sadd.s32 $0x2580, s0;
	s14 =	simm.s32 $0x2C80  }
0x3a: {  	[tilespmem:s14], [sflag:$0x1] =	stream.linear.gather [hbm4b:s13+s1], $0x80, $0x38;
	[tilespmem:$0x4100] =	vst v63  }
0x3b: {  	s15 =	sadd.s32 $0x2600, s0;
	s16 =	simm.s32 $0x3080  }
0x3c: {  	[tilespmem:s16], [sflag:$0x1] =	stream.linear.gather [hbm4b:s15+s1], $0x80, $0x38;
	[tilespmem:$0x4100] =	vst v63  }
0x3d: {  	s17 =	sadd.s32 $0x2680, s0;
	s18 =	simm.s32 $0x3480  }
0x3e: {  	[tilespmem:s18], [sflag:$0x1] =	stream.linear.gather [hbm4b:s17+s1], $0x80, $0x38;
	[tilespmem:$0x4100] =	vst v63  }
0x3f: {  	s19 =	sadd.s32 $0x2700, s0;
	s20 =	simm.s32 $0x3880  }
0x40: {  	[tilespmem:s20], [sflag:$0x1] =	stream.linear.gather [hbm4b:s19+s1], $0x80, $0x38;
	[tilespmem:$0x4100] =	vst v63  }
0x41: {  	s21 =	sadd.s32 $0x2780, s0;
	s22 =	simm.s32 $0x3C80  }
0x42: {  	[tilespmem:s22], [sflag:$0x1] =	stream.linear.gather [hbm4b:s21+s1], $0x80, $0x38;
	[tilespmem:$0x4100] =	vst v63  }
0x43: {  	s23 =	sadd.s32 $0x4000, s0;
	s24 =	simm.s32 $0x100  }
0x44: {  	[tilespmem:s24], [sflag:$0x1] =	stream.linear.gather [hbm4b:s23+s1], $0x80, $0x38;
	[tilespmem:$0x4100] =	vst v63  }
0x45: {  	s25 =	sadd.s32 $0x4080, s0;
	s26 =	simm.s32 $0x500  }
0x46: {  	[tilespmem:s26], [sflag:$0x1] =	stream.linear.gather [hbm4b:s25+s1], $0x80, $0x38;
	[tilespmem:$0x4100] =	vst v63  }
0x47: {  	s28 =	sadd.s32 $0x4100, s0;
	s29 =	simm.s32 $0x900  }
0x48: {  	[tilespmem:s29], [sflag:$0x1] =	stream.linear.gather [hbm4b:s28+s1], $0x80, $0x38;
	[tilespmem:$0x4100] =	vst v63  }
0x49: {  	s30 =	sadd.s32 $0x4180, s0;
	s31 =	simm.s32 $0xD00  }
0x4a: {  	[tilespmem:s31], [sflag:$0x1] =	stream.linear.gather [hbm4b:s30+s1], $0x80, $0x38;
	[tilespmem:$0x4100] =	vst v63  }
0x4b: {  	s5 =	sadd.s32 $0x4200, s0;
	s6 =	simm.s32 $0x1100  }
0x4c: {  	[tilespmem:s6], [sflag:$0x1] =	stream.linear.gather [hbm4b:s5+s1], $0x80, $0x38;
	[tilespmem:$0x4100] =	vst v63  }
0x4d: {  	s7 =	sadd.s32 $0x4280, s0;
	s8 =	simm.s32 $0x1500  }
0x4e: {  	[tilespmem:s8], [sflag:$0x1] =	stream.linear.gather [hbm4b:s7+s1], $0x80, $0x38;
	[tilespmem:$0x4100] =	vst v63  }
0x4f: {  	s9 =	sadd.s32 $0x4300, s0;
	s10 =	simm.s32 $0x1900  }
0x50: {  	[tilespmem:s10], [sflag:$0x1] =	stream.linear.gather [hbm4b:s9+s1], $0x80, $0x38;
	[tilespmem:$0x4100] =	vst v63  }
0x51: {  	s11 =	sadd.s32 $0x4380, s0;
	s12 =	simm.s32 $0x1D00  }
0x52: {  	[tilespmem:s12], [sflag:$0x1] =	stream.linear.gather [hbm4b:s11+s1], $0x80, $0x38;
	[tilespmem:$0x4100] =	vst v63  }
0x53: {  	s13 =	sadd.s32 $0x4400, s0;
	s14 =	simm.s32 $0x2100  }
0x54: {  	[tilespmem:s14], [sflag:$0x1] =	stream.linear.gather [hbm4b:s13+s1], $0x80, $0x38;
	[tilespmem:$0x4100] =	vst v63  }
0x55: {  	s15 =	sadd.s32 $0x4480, s0;
	s16 =	simm.s32 $0x2500  }
0x56: {  	[tilespmem:s16], [sflag:$0x1] =	stream.linear.gather [hbm4b:s15+s1], $0x80, $0x38;
	[tilespmem:$0x4100] =	vst v63  }
0x57: {  	s17 =	sadd.s32 $0x4500, s0;
	s18 =	simm.s32 $0x2900  }
0x58: {  	[tilespmem:s18], [sflag:$0x1] =	stream.linear.gather [hbm4b:s17+s1], $0x80, $0x38;
	[tilespmem:$0x4100] =	vst v63  }
0x59: {  	s19 =	sadd.s32 $0x4580, s0;
	s20 =	simm.s32 $0x2D00  }
0x5a: {  	[tilespmem:s20], [sflag:$0x1] =	stream.linear.gather [hbm4b:s19+s1], $0x80, $0x38;
	[tilespmem:$0x4100] =	vst v63  }
0x5b: {  	s21 =	sadd.s32 $0x4600, s0;
	s22 =	simm.s32 $0x3100  }
0x5c: {  	[tilespmem:s22], [sflag:$0x1] =	stream.linear.gather [hbm4b:s21+s1], $0x80, $0x38;
	[tilespmem:$0x4100] =	vst v63  }
0x5d: {  	s23 =	sadd.s32 $0x4680, s0;
	s24 =	simm.s32 $0x3500  }
0x5e: {  	[tilespmem:s24], [sflag:$0x1] =	stream.linear.gather [hbm4b:s23+s1], $0x80, $0x38;
	[tilespmem:$0x4100] =	vst v63  }
0x5f: {  	s25 =	sadd.s32 $0x4700, s0;
	s26 =	simm.s32 $0x3900  }
0x60: {  	[tilespmem:s26], [sflag:$0x1] =	stream.linear.gather [hbm4b:s25+s1], $0x80, $0x38;
	[tilespmem:$0x4100] =	vst v63  }
0x61: {  	s28 =	sadd.s32 $0x4780, s0;
	s29 =	simm.s32 $0x3D00  }
0x62: {  	[tilespmem:s29], [sflag:$0x1] =	stream.linear.gather [hbm4b:s28+s1], $0x80, $0x38;
	[tilespmem:$0x4100] =	vst v63  }
0x63: {  	s30 =	sadd.s32 $0x6000, s0;
	s31 =	simm.s32 $0x180  }
0x64: {  	[tilespmem:s31], [sflag:$0x1] =	stream.linear.gather [hbm4b:s30+s1], $0x80, $0x38;
	[tilespmem:$0x4100] =	vst v63  }
0x65: {  	s5 =	sadd.s32 $0x6080, s0;
	s6 =	simm.s32 $0x580  }
0x66: {  	[tilespmem:s6], [sflag:$0x1] =	stream.linear.gather [hbm4b:s5+s1], $0x80, $0x38;
	[tilespmem:$0x4100] =	vst v63  }
0x67: {  	s7 =	sadd.s32 $0x6100, s0;
	s8 =	simm.s32 $0x980  }
0x68: {  	[tilespmem:s8], [sflag:$0x1] =	stream.linear.gather [hbm4b:s7+s1], $0x80, $0x38;
	[tilespmem:$0x4100] =	vst v63  }
0x69: {  	s9 =	sadd.s32 $0x6180, s0;
	s10 =	simm.s32 $0xD80  }
0x6a: {  	[tilespmem:s10], [sflag:$0x1] =	stream.linear.gather [hbm4b:s9+s1], $0x80, $0x38;
	[tilespmem:$0x4100] =	vst v63  }
0x6b: {  	s11 =	sadd.s32 $0x6200, s0;
	s12 =	simm.s32 $0x1180  }
0x6c: {  	[tilespmem:s12], [sflag:$0x1] =	stream.linear.gather [hbm4b:s11+s1], $0x80, $0x38;
	[tilespmem:$0x4100] =	vst v63  }
0x6d: {  	s13 =	sadd.s32 $0x6280, s0;
	s14 =	simm.s32 $0x1580  }
0x6e: {  	[tilespmem:s14], [sflag:$0x1] =	stream.linear.gather [hbm4b:s13+s1], $0x80, $0x38;
	[tilespmem:$0x4100] =	vst v63  }
0x6f: {  	s15 =	sadd.s32 $0x6300, s0;
	s16 =	simm.s32 $0x1980  }
0x70: {  	[tilespmem:s16], [sflag:$0x1] =	stream.linear.gather [hbm4b:s15+s1], $0x80, $0x38;
	[tilespmem:$0x4100] =	vst v63  }
0x71: {  	s17 =	sadd.s32 $0x6380, s0;
	s18 =	simm.s32 $0x1D80  }
0x72: {  	[tilespmem:s18], [sflag:$0x1] =	stream.linear.gather [hbm4b:s17+s1], $0x80, $0x38;
	[tilespmem:$0x4100] =	vst v63  }
0x73: {  	s19 =	sadd.s32 $0x6400, s0;
	s20 =	simm.s32 $0x2180  }
0x74: {  	[tilespmem:s20], [sflag:$0x1] =	stream.linear.gather [hbm4b:s19+s1], $0x80, $0x38;
	[tilespmem:$0x4100] =	vst v63  }
0x75: {  	s21 =	sadd.s32 $0x6480, s0;
	s22 =	simm.s32 $0x2580  }
0x76: {  	[tilespmem:s22], [sflag:$0x1] =	stream.linear.gather [hbm4b:s21+s1], $0x80, $0x38;
	[tilespmem:$0x4100] =	vst v63  }
0x77: {  	s23 =	sadd.s32 $0x6500, s0;
	s24 =	simm.s32 $0x2980  }
0x78: {  	[tilespmem:s24], [sflag:$0x1] =	stream.linear.gather [hbm4b:s23+s1], $0x80, $0x38;
	[tilespmem:$0x4100] =	vst v63  }
0x79: {  	s25 =	sadd.s32 $0x6580, s0;
	s26 =	simm.s32 $0x2D80  }
0x7a: {  	[tilespmem:s26], [sflag:$0x1] =	stream.linear.gather [hbm4b:s25+s1], $0x80, $0x38;
	[tilespmem:$0x4100] =	vst v63  }
0x7b: {  	s28 =	sadd.s32 $0x6600, s0;
	s29 =	simm.s32 $0x3180  }
0x7c: {  	[tilespmem:s29], [sflag:$0x1] =	stream.linear.gather [hbm4b:s28+s1], $0x80, $0x38;
	[tilespmem:$0x4100] =	vst v63  }
0x7d: {  	s30 =	sadd.s32 $0x6680, s0;
	s31 =	simm.s32 $0x3580  }
0x7e: {  	[tilespmem:s31], [sflag:$0x1] =	stream.linear.gather [hbm4b:s30+s1], $0x80, $0x38;
	[tilespmem:$0x4100] =	vst v63  }
0x7f: {  	s5 =	sadd.s32 $0x6700, s0;
	s6 =	simm.s32 $0x3980  }
0x80: {  	[tilespmem:s6], [sflag:$0x1] =	stream.linear.gather [hbm4b:s5+s1], $0x80, $0x38;
	[tilespmem:$0x4100] =	vst v63  }
0x81: {  	s7 =	sadd.s32 $0x6780, s0;
	s8 =	simm.s32 $0x3D80  }
0x82: {  	[tilespmem:s8], [sflag:$0x1] =	stream.linear.gather [hbm4b:s7+s1], $0x80, $0x38;
	[tilespmem:$0x4100] =	vst v63  }
0x83: {  	s9 =	sadd.s32 $0x8000, s0;
	s10 =	simm.s32 $0x200  }
0x84: {  	[tilespmem:s10], [sflag:$0x1] =	stream.linear.gather [hbm4b:s9+s1], $0x80, $0x38;
	[tilespmem:$0x4100] =	vst v63  }
0x85: {  	s11 =	sadd.s32 $0x8080, s0;
	s12 =	simm.s32 $0x600  }
0x86: {  	[tilespmem:s12], [sflag:$0x1] =	stream.linear.gather [hbm4b:s11+s1], $0x80, $0x38;
	[tilespmem:$0x4100] =	vst v63  }
0x87: {  	s13 =	sadd.s32 $0x8100, s0;
	s14 =	simm.s32 $0xA00  }
0x88: {  	[tilespmem:s14], [sflag:$0x1] =	stream.linear.gather [hbm4b:s13+s1], $0x80, $0x38;
	[tilespmem:$0x4100] =	vst v63  }
0x89: {  	s15 =	sadd.s32 $0x8180, s0;
	s16 =	simm.s32 $0xE00  }
0x8a: {  	[tilespmem:s16], [sflag:$0x1] =	stream.linear.gather [hbm4b:s15+s1], $0x80, $0x38;
	[tilespmem:$0x4100] =	vst v63  }
0x8b: {  	s17 =	sadd.s32 $0x8200, s0;
	s18 =	simm.s32 $0x1200  }
0x8c: {  	[tilespmem:s18], [sflag:$0x1] =	stream.linear.gather [hbm4b:s17+s1], $0x80, $0x38;
	[tilespmem:$0x4100] =	vst v63  }
0x8d: {  	s19 =	sadd.s32 $0x8280, s0;
	s20 =	simm.s32 $0x1600  }
0x8e: {  	[tilespmem:s20], [sflag:$0x1] =	stream.linear.gather [hbm4b:s19+s1], $0x80, $0x38;
	[tilespmem:$0x4100] =	vst v63  }
0x8f: {  	s21 =	sadd.s32 $0x8300, s0;
	s22 =	simm.s32 $0x1A00  }
0x90: {  	[tilespmem:s22], [sflag:$0x1] =	stream.linear.gather [hbm4b:s21+s1], $0x80, $0x38;
	[tilespmem:$0x4100] =	vst v63  }
0x91: {  	s23 =	sadd.s32 $0x8380, s0;
	s24 =	simm.s32 $0x1E00  }
0x92: {  	[tilespmem:s24], [sflag:$0x1] =	stream.linear.gather [hbm4b:s23+s1], $0x80, $0x38;
	[tilespmem:$0x4100] =	vst v63  }
0x93: {  	s25 =	sadd.s32 $0x8400, s0;
	s26 =	simm.s32 $0x2200  }
0x94: {  	[tilespmem:s26], [sflag:$0x1] =	stream.linear.gather [hbm4b:s25+s1], $0x80, $0x38;
	[tilespmem:$0x4100] =	vst v63  }
0x95: {  	s28 =	sadd.s32 $0x8480, s0;
	s29 =	simm.s32 $0x2600  }
0x96: {  	[tilespmem:s29], [sflag:$0x1] =	stream.linear.gather [hbm4b:s28+s1], $0x80, $0x38;
	[tilespmem:$0x4100] =	vst v63  }
0x97: {  	s30 =	sadd.s32 $0x8500, s0;
	s31 =	simm.s32 $0x2A00  }
0x98: {  	[tilespmem:s31], [sflag:$0x1] =	stream.linear.gather [hbm4b:s30+s1], $0x80, $0x38;
	[tilespmem:$0x4100] =	vst v63  }
0x99: {  	s5 =	sadd.s32 $0x8580, s0;
	s6 =	simm.s32 $0x2E00  }
0x9a: {  	[tilespmem:s6], [sflag:$0x1] =	stream.linear.gather [hbm4b:s5+s1], $0x80, $0x38;
	[tilespmem:$0x4100] =	vst v63  }
0x9b: {  	s7 =	sadd.s32 $0x8600, s0;
	s8 =	simm.s32 $0x3200  }
0x9c: {  	[tilespmem:s8], [sflag:$0x1] =	stream.linear.gather [hbm4b:s7+s1], $0x80, $0x38;
	[tilespmem:$0x4100] =	vst v63  }
0x9d: {  	s9 =	sadd.s32 $0x8680, s0;
	s10 =	simm.s32 $0x3600  }
0x9e: {  	[tilespmem:s10], [sflag:$0x1] =	stream.linear.gather [hbm4b:s9+s1], $0x80, $0x38;
	[tilespmem:$0x4100] =	vst v63  }
0x9f: {  	s11 =	sadd.s32 $0x8700, s0;
	s12 =	simm.s32 $0x3A00  }
0xa0: {  	[tilespmem:s12], [sflag:$0x1] =	stream.linear.gather [hbm4b:s11+s1], $0x80, $0x38;
	[tilespmem:$0x4100] =	vst v63  }
0xa1: {  	s13 =	sadd.s32 $0x8780, s0;
	s14 =	simm.s32 $0x3E00  }
0xa2: {  	[tilespmem:s14], [sflag:$0x1] =	stream.linear.gather [hbm4b:s13+s1], $0x80, $0x38;
	[tilespmem:$0x4100] =	vst v63  }
0xa3: {  	s15 =	sadd.s32 $0xA000, s0;
	s16 =	simm.s32 $0x280  }
0xa4: {  	[tilespmem:s16], [sflag:$0x1] =	stream.linear.gather [hbm4b:s15+s1], $0x80, $0x38;
	[tilespmem:$0x4100] =	vst v63  }
0xa5: {  	s17 =	sadd.s32 $0xA080, s0;
	s18 =	simm.s32 $0x680  }
0xa6: {  	[tilespmem:s18], [sflag:$0x1] =	stream.linear.gather [hbm4b:s17+s1], $0x80, $0x38;
	[tilespmem:$0x4100] =	vst v63  }
0xa7: {  	s19 =	sadd.s32 $0xA100, s0;
	s20 =	simm.s32 $0xA80  }
0xa8: {  	[tilespmem:s20], [sflag:$0x1] =	stream.linear.gather [hbm4b:s19+s1], $0x80, $0x38;
	[tilespmem:$0x4100] =	vst v63  }
0xa9: {  	s21 =	sadd.s32 $0xA180, s0;
	s22 =	simm.s32 $0xE80  }
0xaa: {  	[tilespmem:s22], [sflag:$0x1] =	stream.linear.gather [hbm4b:s21+s1], $0x80, $0x38;
	[tilespmem:$0x4100] =	vst v63  }
0xab: {  	s23 =	sadd.s32 $0xA200, s0;
	s24 =	simm.s32 $0x1280  }
0xac: {  	[tilespmem:s24], [sflag:$0x1] =	stream.linear.gather [hbm4b:s23+s1], $0x80, $0x38;
	[tilespmem:$0x4100] =	vst v63  }
0xad: {  	s25 =	sadd.s32 $0xA280, s0;
	s26 =	simm.s32 $0x1680  }
0xae: {  	[tilespmem:s26], [sflag:$0x1] =	stream.linear.gather [hbm4b:s25+s1], $0x80, $0x38;
	[tilespmem:$0x4100] =	vst v63  }
0xaf: {  	s28 =	sadd.s32 $0xA300, s0;
	s29 =	simm.s32 $0x1A80  }
0xb0: {  	[tilespmem:s29], [sflag:$0x1] =	stream.linear.gather [hbm4b:s28+s1], $0x80, $0x38;
	[tilespmem:$0x4100] =	vst v63  }
0xb1: {  	s30 =	sadd.s32 $0xA380, s0;
	s31 =	simm.s32 $0x1E80  }
0xb2: {  	[tilespmem:s31], [sflag:$0x1] =	stream.linear.gather [hbm4b:s30+s1], $0x80, $0x38;
	[tilespmem:$0x4100] =	vst v63  }
0xb3: {  	s5 =	sadd.s32 $0xA400, s0;
	s6 =	simm.s32 $0x2280  }
0xb4: {  	[tilespmem:s6], [sflag:$0x1] =	stream.linear.gather [hbm4b:s5+s1], $0x80, $0x38;
	[tilespmem:$0x4100] =	vst v63  }
0xb5: {  	s7 =	sadd.s32 $0xA480, s0;
	s8 =	simm.s32 $0x2680  }
0xb6: {  	[tilespmem:s8], [sflag:$0x1] =	stream.linear.gather [hbm4b:s7+s1], $0x80, $0x38;
	[tilespmem:$0x4100] =	vst v63  }
0xb7: {  	s9 =	sadd.s32 $0xA500, s0;
	s10 =	simm.s32 $0x2A80  }
0xb8: {  	[tilespmem:s10], [sflag:$0x1] =	stream.linear.gather [hbm4b:s9+s1], $0x80, $0x38;
	[tilespmem:$0x4100] =	vst v63  }
0xb9: {  	s11 =	sadd.s32 $0xA580, s0;
	s12 =	simm.s32 $0x2E80  }
0xba: {  	[tilespmem:s12], [sflag:$0x1] =	stream.linear.gather [hbm4b:s11+s1], $0x80, $0x38;
	[tilespmem:$0x4100] =	vst v63  }
0xbb: {  	s13 =	sadd.s32 $0xA600, s0;
	s14 =	simm.s32 $0x3280  }
0xbc: {  	[tilespmem:s14], [sflag:$0x1] =	stream.linear.gather [hbm4b:s13+s1], $0x80, $0x38;
	[tilespmem:$0x4100] =	vst v63  }
0xbd: {  	s15 =	sadd.s32 $0xA680, s0;
	s16 =	simm.s32 $0x3680  }
0xbe: {  	[tilespmem:s16], [sflag:$0x1] =	stream.linear.gather [hbm4b:s15+s1], $0x80, $0x38;
	[tilespmem:$0x4100] =	vst v63  }
0xbf: {  	s17 =	sadd.s32 $0xA700, s0;
	s18 =	simm.s32 $0x3A80  }
0xc0: {  	[tilespmem:s18], [sflag:$0x1] =	stream.linear.gather [hbm4b:s17+s1], $0x80, $0x38;
	[tilespmem:$0x4100] =	vst v63  }
0xc1: {  	s19 =	sadd.s32 $0xA780, s0;
	s20 =	simm.s32 $0x3E80  }
0xc2: {  	[tilespmem:s20], [sflag:$0x1] =	stream.linear.gather [hbm4b:s19+s1], $0x80, $0x38;
	[tilespmem:$0x4100] =	vst v63  }
0xc3: {  	s21 =	sadd.s32 $0xC000, s0;
	s22 =	simm.s32 $0x300  }
0xc4: {  	[tilespmem:s22], [sflag:$0x1] =	stream.linear.gather [hbm4b:s21+s1], $0x80, $0x38;
	[tilespmem:$0x4100] =	vst v63  }
0xc5: {  	s23 =	sadd.s32 $0xC080, s0;
	s24 =	simm.s32 $0x700  }
0xc6: {  	[tilespmem:s24], [sflag:$0x1] =	stream.linear.gather [hbm4b:s23+s1], $0x80, $0x38;
	[tilespmem:$0x4100] =	vst v63  }
0xc7: {  	s25 =	sadd.s32 $0xC100, s0;
	s26 =	simm.s32 $0xB00  }
0xc8: {  	[tilespmem:s26], [sflag:$0x1] =	stream.linear.gather [hbm4b:s25+s1], $0x80, $0x38;
	[tilespmem:$0x4100] =	vst v63  }
0xc9: {  	s28 =	sadd.s32 $0xC180, s0;
	s29 =	simm.s32 $0xF00  }
0xca: {  	[tilespmem:s29], [sflag:$0x1] =	stream.linear.gather [hbm4b:s28+s1], $0x80, $0x38;
	[tilespmem:$0x4100] =	vst v63  }
0xcb: {  	s30 =	sadd.s32 $0xC200, s0;
	s31 =	simm.s32 $0x1300  }
0xcc: {  	[tilespmem:s31], [sflag:$0x1] =	stream.linear.gather [hbm4b:s30+s1], $0x80, $0x38;
	[tilespmem:$0x4100] =	vst v63  }
0xcd: {  	s3 =	sadd.s32 $0xC280, s0;
	s5 =	simm.s32 $0x1700  }
0xce: {  	[tilespmem:s5], [sflag:$0x1] =	stream.linear.gather [hbm4b:s3+s1], $0x80, $0x38;
	[tilespmem:$0x4100] =	vst v63  }
0xcf: {  	s6 =	sadd.s32 $0xC300, s0;
	s7 =	simm.s32 $0x1B00  }
0xd0: {  	[tilespmem:s7], [sflag:$0x1] =	stream.linear.gather [hbm4b:s6+s1], $0x80, $0x38;
	[tilespmem:$0x4100] =	vst v63  }
0xd1: {  	s8 =	sadd.s32 $0xC380, s0;
	s30 =	simm.s32 $0x1F00  }
0xd2: {  	[tilespmem:s30], [sflag:$0x1] =	stream.linear.gather [hbm4b:s8+s1], $0x80, $0x38;
	[tilespmem:$0x4100] =	vst v63  }
0xd3: {  	s9 =	sadd.s32 $0xC400, s0;
	s29 =	simm.s32 $0x2300  }
0xd4: {  	[tilespmem:s29], [sflag:$0x1] =	stream.linear.gather [hbm4b:s9+s1], $0x80, $0x38;
	[tilespmem:$0x4100] =	vst v63  }
0xd5: {  	s10 =	sadd.s32 $0xC480, s0;
	s28 =	simm.s32 $0x2700  }
0xd6: {  	[tilespmem:s28], [sflag:$0x1] =	stream.linear.gather [hbm4b:s10+s1], $0x80, $0x38;
	[tilespmem:$0x4100] =	vst v63  }
0xd7: {  	s11 =	sadd.s32 $0xC500, s0;
	s26 =	simm.s32 $0x2B00  }
0xd8: {  	[tilespmem:s26], [sflag:$0x1] =	stream.linear.gather [hbm4b:s11+s1], $0x80, $0x38;
	[tilespmem:$0x4100] =	vst v63  }
0xd9: {  	s12 =	sadd.s32 $0xC580, s0;
	s25 =	simm.s32 $0x2F00  }
0xda: {  	[tilespmem:s25], [sflag:$0x1] =	stream.linear.gather [hbm4b:s12+s1], $0x80, $0x38;
	[tilespmem:$0x4100] =	vst v63  }
0xdb: {  	s13 =	sadd.s32 $0xC600, s0;
	s24 =	simm.s32 $0x3300  }
0xdc: {  	[tilespmem:s24], [sflag:$0x1] =	stream.linear.gather [hbm4b:s13+s1], $0x80, $0x38;
	[tilespmem:$0x4100] =	vst v63  }
0xdd: {  	s14 =	sadd.s32 $0xC680, s0;
	s23 =	simm.s32 $0x3700  }
0xde: {  	[tilespmem:s23], [sflag:$0x1] =	stream.linear.gather [hbm4b:s14+s1], $0x80, $0x38;
	[tilespmem:$0x4100] =	vst v63  }
0xdf: {  	s15 =	sadd.s32 $0xC700, s0;
	s21 =	simm.s32 $0x3B00  }
0xe0: {  	[tilespmem:s21], [sflag:$0x1] =	stream.linear.gather [hbm4b:s15+s1], $0x80, $0x38;
	[tilespmem:$0x4100] =	vst v63  }
0xe1: {  	s16 =	sadd.s32 $0xC780, s0;
	s19 =	simm.s32 $0x3F00  }
0xe2: {  	[tilespmem:s19], [sflag:$0x1] =	stream.linear.gather [hbm4b:s16+s1], $0x80, $0x38;
	[tilespmem:$0x4100] =	vst v63  }
0xe3: {  	s17 =	sadd.s32 $0xE000, s0;
	s22 =	simm.s32 $0x380  }
0xe4: {  	[tilespmem:s22], [sflag:$0x1] =	stream.linear.gather [hbm4b:s17+s1], $0x80, $0x38;
	[tilespmem:$0x4100] =	vst v63  }
0xe5: {  	s18 =	sadd.s32 $0xE080, s0;
	s20 =	simm.s32 $0x780  }
0xe6: {  	[tilespmem:s20], [sflag:$0x1] =	stream.linear.gather [hbm4b:s18+s1], $0x80, $0x38;
	[tilespmem:$0x4100] =	vst v63  }
0xe7: {  	s31 =	sadd.s32 $0xE100, s0;
	s18 =	simm.s32 $0xB80  }
0xe8: {  	[tilespmem:s18], [sflag:$0x1] =	stream.linear.gather [hbm4b:s31+s1], $0x80, $0x38;
	[tilespmem:$0x4100] =	vst v63  }
0xe9: {  	s3 =	sadd.s32 $0xE180, s0;
	s17 =	simm.s32 $0xF80  }
0xea: {  	[tilespmem:s17], [sflag:$0x1] =	stream.linear.gather [hbm4b:s3+s1], $0x80, $0x38;
	[tilespmem:$0x4100] =	vst v63  }
0xeb: {  	s5 =	sadd.s32 $0xE200, s0;
	s16 =	simm.s32 $0x1380  }
0xec: {  	[tilespmem:s16], [sflag:$0x1] =	stream.linear.gather [hbm4b:s5+s1], $0x80, $0x38;
	[tilespmem:$0x4100] =	vst v63  }
0xed: {  	s6 =	sadd.s32 $0xE280, s0;
	s15 =	simm.s32 $0x1780  }
0xee: {  	[tilespmem:s15], [sflag:$0x1] =	stream.linear.gather [hbm4b:s6+s1], $0x80, $0x38;
	[tilespmem:$0x4100] =	vst v63  }
0xef: {  	s7 =	sadd.s32 $0xE300, s0;
	s14 =	simm.s32 $0x1B80  }
0xf0: {  	[tilespmem:s14], [sflag:$0x1] =	stream.linear.gather [hbm4b:s7+s1], $0x80, $0x38;
	[tilespmem:$0x4100] =	vst v63  }
0xf1: {  	s8 =	sadd.s32 $0xE380, s0;
	s13 =	simm.s32 $0x1F80  }
0xf2: {  	[tilespmem:s13], [sflag:$0x1] =	stream.linear.gather [hbm4b:s8+s1], $0x80, $0x38;
	[tilespmem:$0x4100] =	vst v63  }
0xf3: {  	s9 =	sadd.s32 $0xE400, s0;
	s12 =	simm.s32 $0x2380  }
0xf4: {  	[tilespmem:s12], [sflag:$0x1] =	stream.linear.gather [hbm4b:s9+s1], $0x80, $0x38;
	[tilespmem:$0x4100] =	vst v63  }
0xf5: {  	s10 =	sadd.s32 $0xE480, s0;
	s11 =	simm.s32 $0x2780  }
0xf6: {  	[tilespmem:s11], [sflag:$0x1] =	stream.linear.gather [hbm4b:s10+s1], $0x80, $0x38;
	[tilespmem:$0x4100] =	vst v63  }
0xf7: {  	s31 =	sadd.s32 $0xE500, s0;
	s10 =	simm.s32 $0x2B80  }
0xf8: {  	[tilespmem:s10], [sflag:$0x1] =	stream.linear.gather [hbm4b:s31+s1], $0x80, $0x38;
	[tilespmem:$0x4100] =	vst v63  }
0xf9: {  	s3 =	sadd.s32 $0xE580, s0;
	s9 =	simm.s32 $0x2F80  }
0xfa: {  	[tilespmem:s9], [sflag:$0x1] =	stream.linear.gather [hbm4b:s3+s1], $0x80, $0x38;
	[tilespmem:$0x4100] =	vst v63  }
0xfb: {  	s5 =	sadd.s32 $0xE600, s0;
	s8 =	simm.s32 $0x3380  }
0xfc: {  	[tilespmem:s8], [sflag:$0x1] =	stream.linear.gather [hbm4b:s5+s1], $0x80, $0x38;
	[tilespmem:$0x4100] =	vst v63  }
0xfd: {  	s6 =	sadd.s32 $0xE680, s0;
	s7 =	simm.s32 $0x3780  }
0xfe: {  	[tilespmem:s7], [sflag:$0x1] =	stream.linear.gather [hbm4b:s6+s1], $0x80, $0x38;
	[tilespmem:$0x4100] =	vst v63  }
0xff: {  	p0 =	sne.s32 s4, $0x0;
	s31 =	sadd.s32 $0xE700, s0;
	s6 =	simm.s32 $0x3B80  }
0x100: {  	v0 =	vlaneseq.u32 @!p0;
	[tilespmem:s6], [sflag:$0x1] =	stream.linear.gather [hbm4b:s31+s1], $0x80, $0x38;
	[tilespmem:$0x4100] =	vst v63  }
0x101: {  	v0 =	vmul.u32 @!p0 $0x20, v0;
	s0 =	sadd.s32 $0xE780, s0;
	s5 =	simm.s32 $0x3F80  }
0x102: {  	[tilespmem:s5], [sflag:$0x1] =	stream.linear.gather [hbm4b:s0+s1], $0x80, $0x38;
	[tilespmem:$0x4100] =	vst v63  }
0x103: {  	v1 =	vor.u32 @!p0 $0x200, v0;
	[tilespmem:$0x4000] =	vst @!p0 v0  }
0x104: {  	[tilespmem:$0x4010] =	vst @!p0 v1;
	v1 =	vor.u32 @!p0 $0x400, v0  }
0x105: {  	[tilespmem:$0x4020] =	vst @!p0 v1;
	v1 =	vor.u32 @!p0 $0x600, v0  }
0x106: {  	[tilespmem:$0x4030] =	vst @!p0 v1;
	v1 =	vor.u32 @!p0 $0x800, v0  }
0x107: {  	[tilespmem:$0x4040] =	vst @!p0 v1;
	v1 =	vor.u32 @!p0 $0xA00, v0  }
0x108: {  	[tilespmem:$0x4050] =	vst @!p0 v1;
	v1 =	vor.u32 @!p0 $0xC00, v0  }
0x109: {  	s2 =	simm.s32 @!p0 $0x4000;
	v0 =	vor.u32 @!p0 $0xE00, v0;
	[tilespmem:$0x4060] =	vst @!p0 v1  }
0x10a: {  	s3 =	simm.s32 @!p0 $0x80;
	s31 =	rddreg [dreg:$0x1];
	s0 =	simm.s32 @!p0 $0x4080;
	[tilespmem:$0x4070] =	vst @!p0 v0  }
0x10b: {  	[tilespmem:s0], [sflag:$0x2] =	stream.indirect.gather @!p0 [hbm4b:s31+s3], $0x1, s2, s3, $0xb8;
	[tilespmem:$0x4100] =	vst v63  }
0x10c: {  	s2 =	simm.s32 @!p0 $0x2  }
0x10d: {  	_ =	swait.ge @!p0 [sflag:s2], $0x80  }
0x10e: {  	[sflag:s2] =	ssyncset.done @!p0 $0x0  }
0x10f: {  	[sflag:s2] =	ssyncadd.s32 @!p0 $0xFFFFFF80  }
0x110: {  	s2 =	simm.s32 @!p0 $0x0;
	s3 =	rddreg [dreg:$0x3]  }
0x111: {  	[hbm4b:s3+s2] =	stream.linear.scatter @!p0 [tilespmem:s0], [sflag:$0x4], $0x80, $0x38;
	[tilespmem:$0x4100] =	vst v63  }
0x112: {  	s0 =	simm.s32 @!p0 $0x4  }
0x113: {  	_ =	swait.ge @!p0 [sflag:s0], $0x80  }
0x114: {  	[sflag:s0] =	ssyncset.done @!p0 $0x0  }
0x115: {  	[sflag:s0] =	ssyncadd.s32 @!p0 $0xFFFFFF80;
	s0 =	simm.s32 $0x1  }
0x116: {  	_ =	swait.ge [sflag:s0], $0x800  }
0x117: {  	[sflag:s0] =	ssyncset.done $0x0  }
0x118: {  	s3 =	sshll.u32 s4, $0xB;
	s4 =	rddreg [dreg:$0x2]  }
0x119: {  	[sflag:s0] =	ssyncadd.s32 $0xFFFFF800;
	s3 =	sadd.s32 s4, s3  }
0x11a: {  	[hbm4b:s3+s1] =	stream.linear.scatter [tilespmem:s1], [sflag:$0x3], $0x80, $0x38;
	[tilespmem:$0x4100] =	vst v63  }
0x11b: {  	s31 =	simm.s32 $0x400;
	s2 =	sadd.s32 $0x80, s3  }
0x11c: {  	[hbm4b:s2+s1] =	stream.linear.scatter [tilespmem:s31], [sflag:$0x3], $0x80, $0x38;
	[tilespmem:$0x4100] =	vst v63  }
0x11d: {  	s4 =	sadd.s32 $0x100, s3;
	s31 =	simm.s32 $0x800  }
0x11e: {  	[hbm4b:s4+s1] =	stream.linear.scatter [tilespmem:s31], [sflag:$0x3], $0x80, $0x38;
	[tilespmem:$0x4100] =	vst v63  }
0x11f: {  	s4 =	sadd.s32 $0x180, s3;
	s31 =	simm.s32 $0xC00  }
0x120: {  	[hbm4b:s4+s1] =	stream.linear.scatter [tilespmem:s31], [sflag:$0x3], $0x80, $0x38;
	[tilespmem:$0x4100] =	vst v63  }
0x121: {  	s4 =	sadd.s32 $0x200, s3;
	s31 =	simm.s32 $0x1000  }
0x122: {  	[hbm4b:s4+s1] =	stream.linear.scatter [tilespmem:s31], [sflag:$0x3], $0x80, $0x38;
	[tilespmem:$0x4100] =	vst v63  }
0x123: {  	s4 =	sadd.s32 $0x280, s3;
	s31 =	simm.s32 $0x1400  }
0x124: {  	[hbm4b:s4+s1] =	stream.linear.scatter [tilespmem:s31], [sflag:$0x3], $0x80, $0x38;
	[tilespmem:$0x4100] =	vst v63  }
0x125: {  	s4 =	sadd.s32 $0x300, s3;
	s31 =	simm.s32 $0x1800  }
0x126: {  	[hbm4b:s4+s1] =	stream.linear.scatter [tilespmem:s31], [sflag:$0x3], $0x80, $0x38;
	[tilespmem:$0x4100] =	vst v63  }
0x127: {  	s4 =	sadd.s32 $0x380, s3;
	s31 =	simm.s32 $0x1C00  }
0x128: {  	[hbm4b:s4+s1] =	stream.linear.scatter [tilespmem:s31], [sflag:$0x3], $0x80, $0x38;
	[tilespmem:$0x4100] =	vst v63  }
0x129: {  	s4 =	sadd.s32 $0x400, s3;
	s31 =	simm.s32 $0x2000  }
0x12a: {  	[hbm4b:s4+s1] =	stream.linear.scatter [tilespmem:s31], [sflag:$0x3], $0x80, $0x38;
	[tilespmem:$0x4100] =	vst v63  }
0x12b: {  	s4 =	sadd.s32 $0x480, s3;
	s31 =	simm.s32 $0x2400  }
0x12c: {  	[hbm4b:s4+s1] =	stream.linear.scatter [tilespmem:s31], [sflag:$0x3], $0x80, $0x38;
	[tilespmem:$0x4100] =	vst v63  }
0x12d: {  	s4 =	sadd.s32 $0x500, s3;
	s31 =	simm.s32 $0x2800  }
0x12e: {  	[hbm4b:s4+s1] =	stream.linear.scatter [tilespmem:s31], [sflag:$0x3], $0x80, $0x38;
	[tilespmem:$0x4100] =	vst v63  }
0x12f: {  	s4 =	sadd.s32 $0x580, s3;
	s31 =	simm.s32 $0x2C00  }
0x130: {  	[hbm4b:s4+s1] =	stream.linear.scatter [tilespmem:s31], [sflag:$0x3], $0x80, $0x38;
	[tilespmem:$0x4100] =	vst v63  }
0x131: {  	s4 =	sadd.s32 $0x600, s3;
	s31 =	simm.s32 $0x3000  }
0x132: {  	[hbm4b:s4+s1] =	stream.linear.scatter [tilespmem:s31], [sflag:$0x3], $0x80, $0x38;
	[tilespmem:$0x4100] =	vst v63  }
0x133: {  	s4 =	sadd.s32 $0x680, s3;
	s31 =	simm.s32 $0x3400  }
0x134: {  	[hbm4b:s4+s1] =	stream.linear.scatter [tilespmem:s31], [sflag:$0x3], $0x80, $0x38;
	[tilespmem:$0x4100] =	vst v63  }
0x135: {  	s4 =	sadd.s32 $0x700, s3;
	s31 =	simm.s32 $0x3800  }
0x136: {  	[hbm4b:s4+s1] =	stream.linear.scatter [tilespmem:s31], [sflag:$0x3], $0x80, $0x38;
	[tilespmem:$0x4100] =	vst v63  }
0x137: {  	s4 =	sadd.s32 $0x780, s3;
	s31 =	simm.s32 $0x3C00  }
0x138: {  	[hbm4b:s4+s1] =	stream.linear.scatter [tilespmem:s31], [sflag:$0x3], $0x80, $0x38;
	[tilespmem:$0x4100] =	vst v63  }
0x139: {  	_ =	swait.ge [sflag:s0], $0x800  }
0x13a: {  	[sflag:s0] =	ssyncset.done $0x0  }
0x13b: {  	s2 =	sadd.s32 $0x10, s3;
	s31 =	simm.s32 $0x80;
	[sflag:s0] =	ssyncadd.s32 $0xFFFFF800  }
0x13c: {  	[hbm4b:s2+s1] =	stream.linear.scatter [tilespmem:s31], [sflag:$0x3], $0x80, $0x38;
	[tilespmem:$0x4100] =	vst v63  }
0x13d: {  	s4 =	sadd.s32 $0x80, s2;
	s31 =	simm.s32 $0x480  }
0x13e: {  	[hbm4b:s4+s1] =	stream.linear.scatter [tilespmem:s31], [sflag:$0x3], $0x80, $0x38;
	[tilespmem:$0x4100] =	vst v63  }
0x13f: {  	s4 =	sadd.s32 $0x100, s2;
	s31 =	simm.s32 $0x880  }
0x140: {  	[hbm4b:s4+s1] =	stream.linear.scatter [tilespmem:s31], [sflag:$0x3], $0x80, $0x38;
	[tilespmem:$0x4100] =	vst v63  }
0x141: {  	s4 =	sadd.s32 $0x180, s2;
	s31 =	simm.s32 $0xC80  }
0x142: {  	[hbm4b:s4+s1] =	stream.linear.scatter [tilespmem:s31], [sflag:$0x3], $0x80, $0x38;
	[tilespmem:$0x4100] =	vst v63  }
0x143: {  	s4 =	sadd.s32 $0x200, s2;
	s31 =	simm.s32 $0x1080  }
0x144: {  	[hbm4b:s4+s1] =	stream.linear.scatter [tilespmem:s31], [sflag:$0x3], $0x80, $0x38;
	[tilespmem:$0x4100] =	vst v63  }
0x145: {  	s4 =	sadd.s32 $0x280, s2;
	s31 =	simm.s32 $0x1480  }
0x146: {  	[hbm4b:s4+s1] =	stream.linear.scatter [tilespmem:s31], [sflag:$0x3], $0x80, $0x38;
	[tilespmem:$0x4100] =	vst v63  }
0x147: {  	s4 =	sadd.s32 $0x300, s2;
	s31 =	simm.s32 $0x1880  }
0x148: {  	[hbm4b:s4+s1] =	stream.linear.scatter [tilespmem:s31], [sflag:$0x3], $0x80, $0x38;
	[tilespmem:$0x4100] =	vst v63  }
0x149: {  	s4 =	sadd.s32 $0x380, s2;
	s31 =	simm.s32 $0x1C80  }
0x14a: {  	[hbm4b:s4+s1] =	stream.linear.scatter [tilespmem:s31], [sflag:$0x3], $0x80, $0x38;
	[tilespmem:$0x4100] =	vst v63  }
0x14b: {  	s4 =	sadd.s32 $0x400, s2;
	s31 =	simm.s32 $0x2080  }
0x14c: {  	[hbm4b:s4+s1] =	stream.linear.scatter [tilespmem:s31], [sflag:$0x3], $0x80, $0x38;
	[tilespmem:$0x4100] =	vst v63  }
0x14d: {  	s4 =	sadd.s32 $0x480, s2;
	s31 =	simm.s32 $0x2480  }
0x14e: {  	[hbm4b:s4+s1] =	stream.linear.scatter [tilespmem:s31], [sflag:$0x3], $0x80, $0x38;
	[tilespmem:$0x4100] =	vst v63  }
0x14f: {  	s4 =	sadd.s32 $0x500, s2;
	s31 =	simm.s32 $0x2880  }
0x150: {  	[hbm4b:s4+s1] =	stream.linear.scatter [tilespmem:s31], [sflag:$0x3], $0x80, $0x38;
	[tilespmem:$0x4100] =	vst v63  }
0x151: {  	s4 =	sadd.s32 $0x580, s2;
	s31 =	simm.s32 $0x2C80  }
0x152: {  	[hbm4b:s4+s1] =	stream.linear.scatter [tilespmem:s31], [sflag:$0x3], $0x80, $0x38;
	[tilespmem:$0x4100] =	vst v63  }
0x153: {  	s4 =	sadd.s32 $0x600, s2;
	s31 =	simm.s32 $0x3080  }
0x154: {  	[hbm4b:s4+s1] =	stream.linear.scatter [tilespmem:s31], [sflag:$0x3], $0x80, $0x38;
	[tilespmem:$0x4100] =	vst v63  }
0x155: {  	s4 =	sadd.s32 $0x680, s2;
	s31 =	simm.s32 $0x3480  }
0x156: {  	[hbm4b:s4+s1] =	stream.linear.scatter [tilespmem:s31], [sflag:$0x3], $0x80, $0x38;
	[tilespmem:$0x4100] =	vst v63  }
0x157: {  	s4 =	sadd.s32 $0x700, s2;
	s31 =	simm.s32 $0x3880  }
0x158: {  	[hbm4b:s4+s1] =	stream.linear.scatter [tilespmem:s31], [sflag:$0x3], $0x80, $0x38;
	[tilespmem:$0x4100] =	vst v63  }
0x159: {  	s2 =	sadd.s32 $0x780, s2;
	s31 =	simm.s32 $0x3C80  }
0x15a: {  	[hbm4b:s2+s1] =	stream.linear.scatter [tilespmem:s31], [sflag:$0x3], $0x80, $0x38;
	[tilespmem:$0x4100] =	vst v63  }
0x15b: {  	_ =	swait.ge [sflag:s0], $0x800  }
0x15c: {  	[sflag:s0] =	ssyncset.done $0x0  }
0x15d: {  	s2 =	sadd.s32 $0x20, s3;
	s31 =	simm.s32 $0x100;
	[sflag:s0] =	ssyncadd.s32 $0xFFFFF800  }
0x15e: {  	[hbm4b:s2+s1] =	stream.linear.scatter [tilespmem:s31], [sflag:$0x3], $0x80, $0x38;
	[tilespmem:$0x4100] =	vst v63  }
0x15f: {  	s4 =	sadd.s32 $0x80, s2;
	s31 =	simm.s32 $0x500  }
0x160: {  	[hbm4b:s4+s1] =	stream.linear.scatter [tilespmem:s31], [sflag:$0x3], $0x80, $0x38;
	[tilespmem:$0x4100] =	vst v63  }
0x161: {  	s4 =	sadd.s32 $0x100, s2;
	s31 =	simm.s32 $0x900  }
0x162: {  	[hbm4b:s4+s1] =	stream.linear.scatter [tilespmem:s31], [sflag:$0x3], $0x80, $0x38;
	[tilespmem:$0x4100] =	vst v63  }
0x163: {  	s4 =	sadd.s32 $0x180, s2;
	s31 =	simm.s32 $0xD00  }
0x164: {  	[hbm4b:s4+s1] =	stream.linear.scatter [tilespmem:s31], [sflag:$0x3], $0x80, $0x38;
	[tilespmem:$0x4100] =	vst v63  }
0x165: {  	s4 =	sadd.s32 $0x200, s2;
	s31 =	simm.s32 $0x1100  }
0x166: {  	[hbm4b:s4+s1] =	stream.linear.scatter [tilespmem:s31], [sflag:$0x3], $0x80, $0x38;
	[tilespmem:$0x4100] =	vst v63  }
0x167: {  	s4 =	sadd.s32 $0x280, s2;
	s31 =	simm.s32 $0x1500  }
0x168: {  	[hbm4b:s4+s1] =	stream.linear.scatter [tilespmem:s31], [sflag:$0x3], $0x80, $0x38;
	[tilespmem:$0x4100] =	vst v63  }
0x169: {  	s4 =	sadd.s32 $0x300, s2;
	s31 =	simm.s32 $0x1900  }
0x16a: {  	[hbm4b:s4+s1] =	stream.linear.scatter [tilespmem:s31], [sflag:$0x3], $0x80, $0x38;
	[tilespmem:$0x4100] =	vst v63  }
0x16b: {  	s4 =	sadd.s32 $0x380, s2;
	s31 =	simm.s32 $0x1D00  }
0x16c: {  	[hbm4b:s4+s1] =	stream.linear.scatter [tilespmem:s31], [sflag:$0x3], $0x80, $0x38;
	[tilespmem:$0x4100] =	vst v63  }
0x16d: {  	s4 =	sadd.s32 $0x400, s2;
	s31 =	simm.s32 $0x2100  }
0x16e: {  	[hbm4b:s4+s1] =	stream.linear.scatter [tilespmem:s31], [sflag:$0x3], $0x80, $0x38;
	[tilespmem:$0x4100] =	vst v63  }
0x16f: {  	s4 =	sadd.s32 $0x480, s2;
	s31 =	simm.s32 $0x2500  }
0x170: {  	[hbm4b:s4+s1] =	stream.linear.scatter [tilespmem:s31], [sflag:$0x3], $0x80, $0x38;
	[tilespmem:$0x4100] =	vst v63  }
0x171: {  	s4 =	sadd.s32 $0x500, s2;
	s31 =	simm.s32 $0x2900  }
0x172: {  	[hbm4b:s4+s1] =	stream.linear.scatter [tilespmem:s31], [sflag:$0x3], $0x80, $0x38;
	[tilespmem:$0x4100] =	vst v63  }
0x173: {  	s4 =	sadd.s32 $0x580, s2;
	s31 =	simm.s32 $0x2D00  }
0x174: {  	[hbm4b:s4+s1] =	stream.linear.scatter [tilespmem:s31], [sflag:$0x3], $0x80, $0x38;
	[tilespmem:$0x4100] =	vst v63  }
0x175: {  	s4 =	sadd.s32 $0x600, s2;
	s31 =	simm.s32 $0x3100  }
0x176: {  	[hbm4b:s4+s1] =	stream.linear.scatter [tilespmem:s31], [sflag:$0x3], $0x80, $0x38;
	[tilespmem:$0x4100] =	vst v63  }
0x177: {  	s4 =	sadd.s32 $0x680, s2;
	s31 =	simm.s32 $0x3500  }
0x178: {  	[hbm4b:s4+s1] =	stream.linear.scatter [tilespmem:s31], [sflag:$0x3], $0x80, $0x38;
	[tilespmem:$0x4100] =	vst v63  }
0x179: {  	s4 =	sadd.s32 $0x700, s2;
	s31 =	simm.s32 $0x3900  }
0x17a: {  	[hbm4b:s4+s1] =	stream.linear.scatter [tilespmem:s31], [sflag:$0x3], $0x80, $0x38;
	[tilespmem:$0x4100] =	vst v63  }
0x17b: {  	s2 =	sadd.s32 $0x780, s2;
	s31 =	simm.s32 $0x3D00  }
0x17c: {  	[hbm4b:s2+s1] =	stream.linear.scatter [tilespmem:s31], [sflag:$0x3], $0x80, $0x38;
	[tilespmem:$0x4100] =	vst v63  }
0x17d: {  	_ =	swait.ge [sflag:s0], $0x800  }
0x17e: {  	[sflag:s0] =	ssyncset.done $0x0  }
0x17f: {  	s2 =	sadd.s32 $0x30, s3;
	s31 =	simm.s32 $0x180;
	[sflag:s0] =	ssyncadd.s32 $0xFFFFF800  }
0x180: {  	[hbm4b:s2+s1] =	stream.linear.scatter [tilespmem:s31], [sflag:$0x3], $0x80, $0x38;
	[tilespmem:$0x4100] =	vst v63  }
0x181: {  	s4 =	sadd.s32 $0x80, s2;
	s31 =	simm.s32 $0x580  }
0x182: {  	[hbm4b:s4+s1] =	stream.linear.scatter [tilespmem:s31], [sflag:$0x3], $0x80, $0x38;
	[tilespmem:$0x4100] =	vst v63  }
0x183: {  	s4 =	sadd.s32 $0x100, s2;
	s31 =	simm.s32 $0x980  }
0x184: {  	[hbm4b:s4+s1] =	stream.linear.scatter [tilespmem:s31], [sflag:$0x3], $0x80, $0x38;
	[tilespmem:$0x4100] =	vst v63  }
0x185: {  	s4 =	sadd.s32 $0x180, s2;
	s31 =	simm.s32 $0xD80  }
0x186: {  	[hbm4b:s4+s1] =	stream.linear.scatter [tilespmem:s31], [sflag:$0x3], $0x80, $0x38;
	[tilespmem:$0x4100] =	vst v63  }
0x187: {  	s4 =	sadd.s32 $0x200, s2;
	s31 =	simm.s32 $0x1180  }
0x188: {  	[hbm4b:s4+s1] =	stream.linear.scatter [tilespmem:s31], [sflag:$0x3], $0x80, $0x38;
	[tilespmem:$0x4100] =	vst v63  }
0x189: {  	s4 =	sadd.s32 $0x280, s2;
	s31 =	simm.s32 $0x1580  }
0x18a: {  	[hbm4b:s4+s1] =	stream.linear.scatter [tilespmem:s31], [sflag:$0x3], $0x80, $0x38;
	[tilespmem:$0x4100] =	vst v63  }
0x18b: {  	s4 =	sadd.s32 $0x300, s2;
	s31 =	simm.s32 $0x1980  }
0x18c: {  	[hbm4b:s4+s1] =	stream.linear.scatter [tilespmem:s31], [sflag:$0x3], $0x80, $0x38;
	[tilespmem:$0x4100] =	vst v63  }
0x18d: {  	s4 =	sadd.s32 $0x380, s2;
	s31 =	simm.s32 $0x1D80  }
0x18e: {  	[hbm4b:s4+s1] =	stream.linear.scatter [tilespmem:s31], [sflag:$0x3], $0x80, $0x38;
	[tilespmem:$0x4100] =	vst v63  }
0x18f: {  	s4 =	sadd.s32 $0x400, s2;
	s31 =	simm.s32 $0x2180  }
0x190: {  	[hbm4b:s4+s1] =	stream.linear.scatter [tilespmem:s31], [sflag:$0x3], $0x80, $0x38;
	[tilespmem:$0x4100] =	vst v63  }
0x191: {  	s4 =	sadd.s32 $0x480, s2;
	s31 =	simm.s32 $0x2580  }
0x192: {  	[hbm4b:s4+s1] =	stream.linear.scatter [tilespmem:s31], [sflag:$0x3], $0x80, $0x38;
	[tilespmem:$0x4100] =	vst v63  }
0x193: {  	s4 =	sadd.s32 $0x500, s2;
	s31 =	simm.s32 $0x2980  }
0x194: {  	[hbm4b:s4+s1] =	stream.linear.scatter [tilespmem:s31], [sflag:$0x3], $0x80, $0x38;
	[tilespmem:$0x4100] =	vst v63  }
0x195: {  	s4 =	sadd.s32 $0x580, s2;
	s31 =	simm.s32 $0x2D80  }
0x196: {  	[hbm4b:s4+s1] =	stream.linear.scatter [tilespmem:s31], [sflag:$0x3], $0x80, $0x38;
	[tilespmem:$0x4100] =	vst v63  }
0x197: {  	s4 =	sadd.s32 $0x600, s2;
	s31 =	simm.s32 $0x3180  }
0x198: {  	[hbm4b:s4+s1] =	stream.linear.scatter [tilespmem:s31], [sflag:$0x3], $0x80, $0x38;
	[tilespmem:$0x4100] =	vst v63  }
0x199: {  	s4 =	sadd.s32 $0x680, s2;
	s31 =	simm.s32 $0x3580  }
0x19a: {  	[hbm4b:s4+s1] =	stream.linear.scatter [tilespmem:s31], [sflag:$0x3], $0x80, $0x38;
	[tilespmem:$0x4100] =	vst v63  }
0x19b: {  	s4 =	sadd.s32 $0x700, s2;
	s31 =	simm.s32 $0x3980  }
0x19c: {  	[hbm4b:s4+s1] =	stream.linear.scatter [tilespmem:s31], [sflag:$0x3], $0x80, $0x38;
	[tilespmem:$0x4100] =	vst v63  }
0x19d: {  	s2 =	sadd.s32 $0x780, s2;
	s31 =	simm.s32 $0x3D80  }
0x19e: {  	[hbm4b:s2+s1] =	stream.linear.scatter [tilespmem:s31], [sflag:$0x3], $0x80, $0x38;
	[tilespmem:$0x4100] =	vst v63  }
0x19f: {  	_ =	swait.ge [sflag:s0], $0x800  }
0x1a0: {  	[sflag:s0] =	ssyncset.done $0x0  }
0x1a1: {  	s2 =	sadd.s32 $0x40, s3;
	s31 =	simm.s32 $0x200;
	[sflag:s0] =	ssyncadd.s32 $0xFFFFF800  }
0x1a2: {  	[hbm4b:s2+s1] =	stream.linear.scatter [tilespmem:s31], [sflag:$0x3], $0x80, $0x38;
	[tilespmem:$0x4100] =	vst v63  }
0x1a3: {  	s4 =	sadd.s32 $0x80, s2;
	s31 =	simm.s32 $0x600  }
0x1a4: {  	[hbm4b:s4+s1] =	stream.linear.scatter [tilespmem:s31], [sflag:$0x3], $0x80, $0x38;
	[tilespmem:$0x4100] =	vst v63  }
0x1a5: {  	s4 =	sadd.s32 $0x100, s2;
	s31 =	simm.s32 $0xA00  }
0x1a6: {  	[hbm4b:s4+s1] =	stream.linear.scatter [tilespmem:s31], [sflag:$0x3], $0x80, $0x38;
	[tilespmem:$0x4100] =	vst v63  }
0x1a7: {  	s4 =	sadd.s32 $0x180, s2;
	s31 =	simm.s32 $0xE00  }
0x1a8: {  	[hbm4b:s4+s1] =	stream.linear.scatter [tilespmem:s31], [sflag:$0x3], $0x80, $0x38;
	[tilespmem:$0x4100] =	vst v63  }
0x1a9: {  	s4 =	sadd.s32 $0x200, s2;
	s31 =	simm.s32 $0x1200  }
0x1aa: {  	[hbm4b:s4+s1] =	stream.linear.scatter [tilespmem:s31], [sflag:$0x3], $0x80, $0x38;
	[tilespmem:$0x4100] =	vst v63  }
0x1ab: {  	s4 =	sadd.s32 $0x280, s2;
	s31 =	simm.s32 $0x1600  }
0x1ac: {  	[hbm4b:s4+s1] =	stream.linear.scatter [tilespmem:s31], [sflag:$0x3], $0x80, $0x38;
	[tilespmem:$0x4100] =	vst v63  }
0x1ad: {  	s4 =	sadd.s32 $0x300, s2;
	s31 =	simm.s32 $0x1A00  }
0x1ae: {  	[hbm4b:s4+s1] =	stream.linear.scatter [tilespmem:s31], [sflag:$0x3], $0x80, $0x38;
	[tilespmem:$0x4100] =	vst v63  }
0x1af: {  	s4 =	sadd.s32 $0x380, s2;
	s31 =	simm.s32 $0x1E00  }
0x1b0: {  	[hbm4b:s4+s1] =	stream.linear.scatter [tilespmem:s31], [sflag:$0x3], $0x80, $0x38;
	[tilespmem:$0x4100] =	vst v63  }
0x1b1: {  	s4 =	sadd.s32 $0x400, s2;
	s31 =	simm.s32 $0x2200  }
0x1b2: {  	[hbm4b:s4+s1] =	stream.linear.scatter [tilespmem:s31], [sflag:$0x3], $0x80, $0x38;
	[tilespmem:$0x4100] =	vst v63  }
0x1b3: {  	s4 =	sadd.s32 $0x480, s2;
	s31 =	simm.s32 $0x2600  }
0x1b4: {  	[hbm4b:s4+s1] =	stream.linear.scatter [tilespmem:s31], [sflag:$0x3], $0x80, $0x38;
	[tilespmem:$0x4100] =	vst v63  }
0x1b5: {  	s4 =	sadd.s32 $0x500, s2;
	s31 =	simm.s32 $0x2A00  }
0x1b6: {  	[hbm4b:s4+s1] =	stream.linear.scatter [tilespmem:s31], [sflag:$0x3], $0x80, $0x38;
	[tilespmem:$0x4100] =	vst v63  }
0x1b7: {  	s4 =	sadd.s32 $0x580, s2;
	s31 =	simm.s32 $0x2E00  }
0x1b8: {  	[hbm4b:s4+s1] =	stream.linear.scatter [tilespmem:s31], [sflag:$0x3], $0x80, $0x38;
	[tilespmem:$0x4100] =	vst v63  }
0x1b9: {  	s4 =	sadd.s32 $0x600, s2;
	s31 =	simm.s32 $0x3200  }
0x1ba: {  	[hbm4b:s4+s1] =	stream.linear.scatter [tilespmem:s31], [sflag:$0x3], $0x80, $0x38;
	[tilespmem:$0x4100] =	vst v63  }
0x1bb: {  	s4 =	sadd.s32 $0x680, s2;
	s31 =	simm.s32 $0x3600  }
0x1bc: {  	[hbm4b:s4+s1] =	stream.linear.scatter [tilespmem:s31], [sflag:$0x3], $0x80, $0x38;
	[tilespmem:$0x4100] =	vst v63  }
0x1bd: {  	s4 =	sadd.s32 $0x700, s2;
	s31 =	simm.s32 $0x3A00  }
0x1be: {  	[hbm4b:s4+s1] =	stream.linear.scatter [tilespmem:s31], [sflag:$0x3], $0x80, $0x38;
	[tilespmem:$0x4100] =	vst v63  }
0x1bf: {  	s2 =	sadd.s32 $0x780, s2;
	s31 =	simm.s32 $0x3E00  }
0x1c0: {  	[hbm4b:s2+s1] =	stream.linear.scatter [tilespmem:s31], [sflag:$0x3], $0x80, $0x38;
	[tilespmem:$0x4100] =	vst v63  }
0x1c1: {  	_ =	swait.ge [sflag:s0], $0x800  }
0x1c2: {  	[sflag:s0] =	ssyncset.done $0x0  }
0x1c3: {  	s2 =	sadd.s32 $0x50, s3;
	s31 =	simm.s32 $0x280;
	[sflag:s0] =	ssyncadd.s32 $0xFFFFF800  }
0x1c4: {  	[hbm4b:s2+s1] =	stream.linear.scatter [tilespmem:s31], [sflag:$0x3], $0x80, $0x38;
	[tilespmem:$0x4100] =	vst v63  }
0x1c5: {  	s4 =	sadd.s32 $0x80, s2;
	s31 =	simm.s32 $0x680  }
0x1c6: {  	[hbm4b:s4+s1] =	stream.linear.scatter [tilespmem:s31], [sflag:$0x3], $0x80, $0x38;
	[tilespmem:$0x4100] =	vst v63  }
0x1c7: {  	s4 =	sadd.s32 $0x100, s2;
	s31 =	simm.s32 $0xA80  }
0x1c8: {  	[hbm4b:s4+s1] =	stream.linear.scatter [tilespmem:s31], [sflag:$0x3], $0x80, $0x38;
	[tilespmem:$0x4100] =	vst v63  }
0x1c9: {  	s4 =	sadd.s32 $0x180, s2;
	s31 =	simm.s32 $0xE80  }
0x1ca: {  	[hbm4b:s4+s1] =	stream.linear.scatter [tilespmem:s31], [sflag:$0x3], $0x80, $0x38;
	[tilespmem:$0x4100] =	vst v63  }
0x1cb: {  	s4 =	sadd.s32 $0x200, s2;
	s31 =	simm.s32 $0x1280  }
0x1cc: {  	[hbm4b:s4+s1] =	stream.linear.scatter [tilespmem:s31], [sflag:$0x3], $0x80, $0x38;
	[tilespmem:$0x4100] =	vst v63  }
0x1cd: {  	s4 =	sadd.s32 $0x280, s2;
	s31 =	simm.s32 $0x1680  }
0x1ce: {  	[hbm4b:s4+s1] =	stream.linear.scatter [tilespmem:s31], [sflag:$0x3], $0x80, $0x38;
	[tilespmem:$0x4100] =	vst v63  }
0x1cf: {  	s4 =	sadd.s32 $0x300, s2;
	s31 =	simm.s32 $0x1A80  }
0x1d0: {  	[hbm4b:s4+s1] =	stream.linear.scatter [tilespmem:s31], [sflag:$0x3], $0x80, $0x38;
	[tilespmem:$0x4100] =	vst v63  }
0x1d1: {  	s4 =	sadd.s32 $0x380, s2;
	s31 =	simm.s32 $0x1E80  }
0x1d2: {  	[hbm4b:s4+s1] =	stream.linear.scatter [tilespmem:s31], [sflag:$0x3], $0x80, $0x38;
	[tilespmem:$0x4100] =	vst v63  }
0x1d3: {  	s4 =	sadd.s32 $0x400, s2;
	s31 =	simm.s32 $0x2280  }
0x1d4: {  	[hbm4b:s4+s1] =	stream.linear.scatter [tilespmem:s31], [sflag:$0x3], $0x80, $0x38;
	[tilespmem:$0x4100] =	vst v63  }
0x1d5: {  	s4 =	sadd.s32 $0x480, s2;
	s31 =	simm.s32 $0x2680  }
0x1d6: {  	[hbm4b:s4+s1] =	stream.linear.scatter [tilespmem:s31], [sflag:$0x3], $0x80, $0x38;
	[tilespmem:$0x4100] =	vst v63  }
0x1d7: {  	s4 =	sadd.s32 $0x500, s2;
	s31 =	simm.s32 $0x2A80  }
0x1d8: {  	[hbm4b:s4+s1] =	stream.linear.scatter [tilespmem:s31], [sflag:$0x3], $0x80, $0x38;
	[tilespmem:$0x4100] =	vst v63  }
0x1d9: {  	s4 =	sadd.s32 $0x580, s2;
	s31 =	simm.s32 $0x2E80  }
0x1da: {  	[hbm4b:s4+s1] =	stream.linear.scatter [tilespmem:s31], [sflag:$0x3], $0x80, $0x38;
	[tilespmem:$0x4100] =	vst v63  }
0x1db: {  	s4 =	sadd.s32 $0x600, s2;
	s31 =	simm.s32 $0x3280  }
0x1dc: {  	[hbm4b:s4+s1] =	stream.linear.scatter [tilespmem:s31], [sflag:$0x3], $0x80, $0x38;
	[tilespmem:$0x4100] =	vst v63  }
0x1dd: {  	s4 =	sadd.s32 $0x680, s2;
	s31 =	simm.s32 $0x3680  }
0x1de: {  	[hbm4b:s4+s1] =	stream.linear.scatter [tilespmem:s31], [sflag:$0x3], $0x80, $0x38;
	[tilespmem:$0x4100] =	vst v63  }
0x1df: {  	s4 =	sadd.s32 $0x700, s2;
	s31 =	simm.s32 $0x3A80  }
0x1e0: {  	[hbm4b:s4+s1] =	stream.linear.scatter [tilespmem:s31], [sflag:$0x3], $0x80, $0x38;
	[tilespmem:$0x4100] =	vst v63  }
0x1e1: {  	s2 =	sadd.s32 $0x780, s2;
	s31 =	simm.s32 $0x3E80  }
0x1e2: {  	[hbm4b:s2+s1] =	stream.linear.scatter [tilespmem:s31], [sflag:$0x3], $0x80, $0x38;
	[tilespmem:$0x4100] =	vst v63  }
0x1e3: {  	_ =	swait.ge [sflag:s0], $0x800  }
0x1e4: {  	[sflag:s0] =	ssyncset.done $0x0  }
0x1e5: {  	s2 =	sadd.s32 $0x60, s3;
	s31 =	simm.s32 $0x300;
	[sflag:s0] =	ssyncadd.s32 $0xFFFFF800  }
0x1e6: {  	[hbm4b:s2+s1] =	stream.linear.scatter [tilespmem:s31], [sflag:$0x3], $0x80, $0x38;
	[tilespmem:$0x4100] =	vst v63  }
0x1e7: {  	s4 =	sadd.s32 $0x80, s2;
	s31 =	simm.s32 $0x700  }
0x1e8: {  	[hbm4b:s4+s1] =	stream.linear.scatter [tilespmem:s31], [sflag:$0x3], $0x80, $0x38;
	[tilespmem:$0x4100] =	vst v63  }
0x1e9: {  	s4 =	sadd.s32 $0x100, s2;
	s31 =	simm.s32 $0xB00  }
0x1ea: {  	[hbm4b:s4+s1] =	stream.linear.scatter [tilespmem:s31], [sflag:$0x3], $0x80, $0x38;
	[tilespmem:$0x4100] =	vst v63  }
0x1eb: {  	s4 =	sadd.s32 $0x180, s2;
	s31 =	simm.s32 $0xF00  }
0x1ec: {  	[hbm4b:s4+s1] =	stream.linear.scatter [tilespmem:s31], [sflag:$0x3], $0x80, $0x38;
	[tilespmem:$0x4100] =	vst v63  }
0x1ed: {  	s4 =	sadd.s32 $0x200, s2;
	s31 =	simm.s32 $0x1300  }
0x1ee: {  	[hbm4b:s4+s1] =	stream.linear.scatter [tilespmem:s31], [sflag:$0x3], $0x80, $0x38;
	[tilespmem:$0x4100] =	vst v63  }
0x1ef: {  	s4 =	sadd.s32 $0x280, s2;
	s31 =	simm.s32 $0x1700  }
0x1f0: {  	[hbm4b:s4+s1] =	stream.linear.scatter [tilespmem:s31], [sflag:$0x3], $0x80, $0x38;
	[tilespmem:$0x4100] =	vst v63  }
0x1f1: {  	s4 =	sadd.s32 $0x300, s2;
	s31 =	simm.s32 $0x1B00  }
0x1f2: {  	[hbm4b:s4+s1] =	stream.linear.scatter [tilespmem:s31], [sflag:$0x3], $0x80, $0x38;
	[tilespmem:$0x4100] =	vst v63  }
0x1f3: {  	s31 =	sadd.s32 $0x380, s2  }
0x1f4: {  	[hbm4b:s31+s1] =	stream.linear.scatter [tilespmem:s30], [sflag:$0x3], $0x80, $0x38;
	[tilespmem:$0x4100] =	vst v63  }
0x1f5: {  	s31 =	sadd.s32 $0x400, s2  }
0x1f6: {  	[hbm4b:s31+s1] =	stream.linear.scatter [tilespmem:s29], [sflag:$0x3], $0x80, $0x38;
	[tilespmem:$0x4100] =	vst v63  }
0x1f7: {  	s30 =	sadd.s32 $0x480, s2  }
0x1f8: {  	[hbm4b:s30+s1] =	stream.linear.scatter [tilespmem:s28], [sflag:$0x3], $0x80, $0x38;
	[tilespmem:$0x4100] =	vst v63  }
0x1f9: {  	s31 =	sadd.s32 $0x500, s2  }
0x1fa: {  	[hbm4b:s31+s1] =	stream.linear.scatter [tilespmem:s26], [sflag:$0x3], $0x80, $0x38;
	[tilespmem:$0x4100] =	vst v63  }
0x1fb: {  	s26 =	sadd.s32 $0x580, s2  }
0x1fc: {  	[hbm4b:s26+s1] =	stream.linear.scatter [tilespmem:s25], [sflag:$0x3], $0x80, $0x38;
	[tilespmem:$0x4100] =	vst v63  }
0x1fd: {  	s28 =	sadd.s32 $0x600, s2  }
0x1fe: {  	[hbm4b:s28+s1] =	stream.linear.scatter [tilespmem:s24], [sflag:$0x3], $0x80, $0x38;
	[tilespmem:$0x4100] =	vst v63  }
0x1ff: {  	s29 =	sadd.s32 $0x680, s2  }
0x200: {  	[hbm4b:s29+s1] =	stream.linear.scatter [tilespmem:s23], [sflag:$0x3], $0x80, $0x38;
	[tilespmem:$0x4100] =	vst v63  }
0x201: {  	s30 =	sadd.s32 $0x700, s2  }
0x202: {  	[hbm4b:s30+s1] =	stream.linear.scatter [tilespmem:s21], [sflag:$0x3], $0x80, $0x38;
	[tilespmem:$0x4100] =	vst v63  }
0x203: {  	s2 =	sadd.s32 $0x780, s2  }
0x204: {  	[hbm4b:s2+s1] =	stream.linear.scatter [tilespmem:s19], [sflag:$0x3], $0x80, $0x38;
	[tilespmem:$0x4100] =	vst v63  }
0x205: {  	_ =	swait.ge [sflag:s0], $0x800  }
0x206: {  	[sflag:s0] =	ssyncset.done $0x0  }
0x207: {  	s31 =	sadd.s32 $0x70, s3;
	[sflag:s0] =	ssyncadd.s32 $0xFFFFF800  }
0x208: {  	[hbm4b:s31+s1] =	stream.linear.scatter [tilespmem:s22], [sflag:$0x3], $0x80, $0x38;
	[tilespmem:$0x4100] =	vst v63  }
0x209: {  	s3 =	sadd.s32 $0x80, s31  }
0x20a: {  	[hbm4b:s3+s1] =	stream.linear.scatter [tilespmem:s20], [sflag:$0x3], $0x80, $0x38;
	[tilespmem:$0x4100] =	vst v63  }
0x20b: {  	s4 =	sadd.s32 $0x100, s31  }
0x20c: {  	[hbm4b:s4+s1] =	stream.linear.scatter [tilespmem:s18], [sflag:$0x3], $0x80, $0x38;
	[tilespmem:$0x4100] =	vst v63  }
0x20d: {  	s18 =	sadd.s32 $0x180, s31  }
0x20e: {  	[hbm4b:s18+s1] =	stream.linear.scatter [tilespmem:s17], [sflag:$0x3], $0x80, $0x38;
	[tilespmem:$0x4100] =	vst v63  }
0x20f: {  	s19 =	sadd.s32 $0x200, s31  }
0x210: {  	[hbm4b:s19+s1] =	stream.linear.scatter [tilespmem:s16], [sflag:$0x3], $0x80, $0x38;
	[tilespmem:$0x4100] =	vst v63  }
0x211: {  	s20 =	sadd.s32 $0x280, s31  }
0x212: {  	[hbm4b:s20+s1] =	stream.linear.scatter [tilespmem:s15], [sflag:$0x3], $0x80, $0x38;
	[tilespmem:$0x4100] =	vst v63  }
0x213: {  	s21 =	sadd.s32 $0x300, s31  }
0x214: {  	[hbm4b:s21+s1] =	stream.linear.scatter [tilespmem:s14], [sflag:$0x3], $0x80, $0x38;
	[tilespmem:$0x4100] =	vst v63  }
0x215: {  	s22 =	sadd.s32 $0x380, s31  }
0x216: {  	[hbm4b:s22+s1] =	stream.linear.scatter [tilespmem:s13], [sflag:$0x3], $0x80, $0x38;
	[tilespmem:$0x4100] =	vst v63  }
0x217: {  	s23 =	sadd.s32 $0x400, s31  }
0x218: {  	[hbm4b:s23+s1] =	stream.linear.scatter [tilespmem:s12], [sflag:$0x3], $0x80, $0x38;
	[tilespmem:$0x4100] =	vst v63  }
0x219: {  	s24 =	sadd.s32 $0x480, s31  }
0x21a: {  	[hbm4b:s24+s1] =	stream.linear.scatter [tilespmem:s11], [sflag:$0x3], $0x80, $0x38;
	[tilespmem:$0x4100] =	vst v63  }
0x21b: {  	s25 =	sadd.s32 $0x500, s31  }
0x21c: {  	[hbm4b:s25+s1] =	stream.linear.scatter [tilespmem:s10], [sflag:$0x3], $0x80, $0x38;
	[tilespmem:$0x4100] =	vst v63  }
0x21d: {  	s26 =	sadd.s32 $0x580, s31  }
0x21e: {  	[hbm4b:s26+s1] =	stream.linear.scatter [tilespmem:s9], [sflag:$0x3], $0x80, $0x38;
	[tilespmem:$0x4100] =	vst v63  }
0x21f: {  	s28 =	sadd.s32 $0x600, s31  }
0x220: {  	[hbm4b:s28+s1] =	stream.linear.scatter [tilespmem:s8], [sflag:$0x3], $0x80, $0x38;
	[tilespmem:$0x4100] =	vst v63  }
0x221: {  	s29 =	sadd.s32 $0x680, s31  }
0x222: {  	[hbm4b:s29+s1] =	stream.linear.scatter [tilespmem:s7], [sflag:$0x3], $0x80, $0x38;
	[tilespmem:$0x4100] =	vst v63  }
0x223: {  	s30 =	sadd.s32 $0x700, s31  }
0x224: {  	[hbm4b:s30+s1] =	stream.linear.scatter [tilespmem:s6], [sflag:$0x3], $0x80, $0x38;
	[tilespmem:$0x4100] =	vst v63  }
0x225: {  	s0 =	sadd.s32 $0x780, s31;
	s31 =	simm.s32 $0x3  }
0x226: {  	[hbm4b:s0+s1] =	stream.linear.scatter [tilespmem:s5], [sflag:$0x3], $0x80, $0x38;
	[tilespmem:$0x4100] =	vst v63  }
0x227: {  	_ =	swait.ge [sflag:s31], $0x800  }
0x228: {  	[sflag:s31] =	ssyncset.done $0x0  }
0x229: {  	[sflag:s31] =	ssyncadd.s32 $0xFFFFF800  }
0x22a: {  	_ =	swait.ge [sflag:s31], $0x800  }
0x22b: {  	[sflag:s31] =	ssyncset.done $0x0  }
0x22c: {  	[sflag:s31] =	ssyncadd.s32 $0xFFFFF800  }
0x22d: {  	_ =	swait.ge [sflag:s31], $0x800  }
0x22e: {  	[sflag:s31] =	ssyncset.done $0x0  }
0x22f: {  	[sflag:s31] =	ssyncadd.s32 $0xFFFFF800  }
0x230: {  	_ =	swait.ge [sflag:s31], $0x800  }
0x231: {  	[sflag:s31] =	ssyncset.done $0x0  }
0x232: {  	[sflag:s31] =	ssyncadd.s32 $0xFFFFF800  }
0x233: {  	_ =	swait.ge [sflag:s31], $0x800  }
0x234: {  	[sflag:s31] =	ssyncset.done $0x0  }
0x235: {  	[sflag:s31] =	ssyncadd.s32 $0xFFFFF800  }
0x236: {  	_ =	swait.ge [sflag:s31], $0x800  }
0x237: {  	[sflag:s31] =	ssyncset.done $0x0  }
0x238: {  	[sflag:s31] =	ssyncadd.s32 $0xFFFFF800  }
0x239: {  	_ =	swait.ge [sflag:s31], $0x800  }
0x23a: {  	[sflag:s31] =	ssyncset.done $0x0  }
0x23b: {  	[sflag:s31] =	ssyncadd.s32 $0xFFFFF800  }
0x23c: {  	_ =	swait.ge [sflag:s31], $0x800  }
0x23d: {  	[sflag:s31] =	ssyncset.done $0x0  }
0x23e: {  	[sflag:s31] =	ssyncadd.s32 $0xFFFFF800  }
0x23f: {  	_ =	sfence.sel $0x180000  }
0x240: {  	[bflag:$0x0] =	sbarrier.arrive $0xFFFF  }
0x241: {  	_ =	strace $0x90000047  }
0x242: {  	[bflag:$0x2] =	sbarrier.arrive $0xFFFF  }
0x243: {  	s0 =	rddreg [dreg:$0x4]  }
0x244: {  	s0 =	sadd.s32 @!p0 $0x100000, s0  }
0x245: {  	[sflag:s0] =	ssyncadd.tile.s32 @!p0 $0x1;
	_ =	shalt  }
.Lfunc_end2:
_tile_overlayer_lowered:
.L_overlay_start_2:
0x246: {  	(tag) =	ssettag $0x2  }
0x247: {  	s0 =	rddreg [dreg:$0x0];
	s2 =	stileid.u32  }
0x248: {  	s1 =	rddreg [dreg:$0x1];
	p0 =	sne.s32 s2, $0x0  }
0x249: {  	s3 =	rddreg [dreg:$0x2];
	[bflag:$0x3] =	sbarrier.arrive $0xFFFF;
	s2 =	simm.s32 @!p0 $0x1C04  }
0x24a: {  	[timem:s3], [sflag:s2] =	dma.local @!p0 [hbm:s0], s1  }
0x24b: {  	s0 =	simm.s32 @!p0 $0x4  }
0x24c: {  	_ =	swait.ge @!p0 [sflag:s0], s1  }
0x24d: {  	s1 =	ssub.s32 @!p0 $0x0, s1;
	[sflag:s0] =	ssyncset.done @!p0 $0x0  }
0x24e: {  	[sflag:s0] =	ssyncadd.s32 @!p0 s1  }
0x24f: {  	[bflag:$0x3] =	sbarrier.arrive $0xFFFF  }
0x250: {  	_ =	shalt  }

</sc_bundles>
